<compile_context>
chip_gen: v7x
topology: tpu7x:2x2x1
jax: 0.10.2.dev20260603
libtpu: 0.0.44.dev20260713+nightly
codegen_flags: <defaults>
</compile_context>

<pallas_src>
import functools

import jax
import jax.numpy as jnp
from jax import lax
from jax.experimental import pallas as pl
from jax.experimental.pallas import tpu as pltpu
from jax.experimental.pallas import tpu_sc as plsc

LANES = 16


def _sc_kernel_body(num_chunks, chunk, d, uid_hbm, iid_hbm, ut_hbm, it_hbm,
                    out_hbm, idx_u, idx_i, ubuf, ibuf, dots, outv,
                    sem_u0, sem_u1, sem_i0, sem_i1):
    nc = 2
    wid = lax.axis_index("s") * nc + lax.axis_index("c")
    per_w = num_chunks * chunk
    base = wid * per_w
    d_steps = d // LANES

    cu = pltpu.async_copy(uid_hbm.at[pl.ds(base, per_w)], idx_u, sem_u0)
    ci = pltpu.async_copy(iid_hbm.at[pl.ds(base, per_w)], idx_i, sem_i0)
    cu.wait()
    ci.wait()

    def issue(j, slot, su, si):
        pltpu.async_copy(ut_hbm.at[idx_u.at[pl.ds(j * chunk, chunk)]],
                         ubuf.at[slot], su)
        pltpu.async_copy(it_hbm.at[idx_i.at[pl.ds(j * chunk, chunk)]],
                         ibuf.at[slot], si)

    def wait(slot, su, si):
        pltpu.make_async_copy(ut_hbm.at[idx_u.at[pl.ds(0, chunk)]],
                              ubuf.at[slot], su).wait()
        pltpu.make_async_copy(it_hbm.at[idx_i.at[pl.ds(0, chunk)]],
                              ibuf.at[slot], si).wait()

    issue(0, 0, sem_u0, sem_i0)
    issue(1, 1, sem_u1, sem_i1)

    lane = lax.iota(jnp.int32, LANES)

    def chunk_body(j, carry):
        s = j % 2

        def slot0(_):
            wait(0, sem_u0, sem_i0)
            return 0

        def slot1(_):
            wait(1, sem_u1, sem_i1)
            return 0

        lax.cond(s == 0, slot0, slot1, 0)

        @plsc.parallel_loop(0, chunk, unroll=4)
        def pair_body(p):
            m = [ubuf[s, p, pl.ds(k * LANES, LANES)] *
                 ibuf[s, p, pl.ds(k * LANES, LANES)] for k in range(d_steps)]
            while len(m) > 1:
                m = [m[2 * t] + m[2 * t + 1] for t in range(len(m) // 2)]
            dots[p, pl.ds(0, LANES)] = m[0]

        @plsc.parallel_loop(0, chunk // LANES, unroll=2)
        def group_body(g):
            row = g * LANES + lane
            acc = [plsc.load_gather(dots,
                                    [row, jnp.full((LANES,), c, jnp.int32)])
                   for c in range(LANES)]
            while len(acc) > 1:
                acc = [acc[2 * t] + acc[2 * t + 1]
                       for t in range(len(acc) // 2)]
            rating = 1.0 + 4.0 / (1.0 + jnp.exp(-acc[0]))
            outv[pl.ds(j * chunk + g * LANES, LANES)] = rating

        nxt = j + 2

        def refill0(_):
            issue(nxt, 0, sem_u0, sem_i0)
            return 0

        def refill1(_):
            issue(nxt, 1, sem_u1, sem_i1)
            return 0

        def norefill(_):
            return 0

        branch = jnp.where(nxt < num_chunks, s, 2)
        lax.switch(branch, [refill0, refill1, norefill], 0)
        return carry

    lax.fori_loop(0, num_chunks, chunk_body, 0)

    pltpu.sync_copy(outv, out_hbm.at[pl.ds(base, per_w)])


def _forward(uid, iid, user_table, item_table):
    b = uid.shape[0]
    d = user_table.shape[1]
    nw = 32
    per_w = b // nw
    chunk = 64
    num_chunks = per_w // chunk

    mesh = plsc.VectorSubcoreMesh(core_axis_name="c", subcore_axis_name="s")
    kfn = pl.kernel(
        functools.partial(_sc_kernel_body, num_chunks, chunk, d),
        mesh=mesh,
        compiler_params=pltpu.CompilerParams(needs_layout_passes=False),
        out_type=jax.ShapeDtypeStruct((b,), jnp.float32),
        scratch_types=[
            pltpu.VMEM((per_w,), jnp.int32),
            pltpu.VMEM((per_w,), jnp.int32),
            pltpu.VMEM((2, chunk, d), jnp.float32),
            pltpu.VMEM((2, chunk, d), jnp.float32),
            pltpu.VMEM((chunk, LANES), jnp.float32),
            pltpu.VMEM((per_w,), jnp.float32),
            pltpu.SemaphoreType.DMA,
            pltpu.SemaphoreType.DMA,
            pltpu.SemaphoreType.DMA,
            pltpu.SemaphoreType.DMA,
        ],
    )
    return kfn(uid, iid, user_table, item_table)


def kernel(inputs, user_table, item_table):
    ids = inputs.astype(jnp.int32)
    return _forward(ids[:, 0], ids[:, 1], user_table, item_table)

# --- scband reference (transcript-rebuilt; emitter-appended) ---
"""Pipeline reference for scband-matrix-factorization-nn-44538810859926 (READ-ONLY COPY).

The authoritative reference and input builder live on the scoring server;
editing this copy changes nothing except your own understanding.
"""

import jax, jax.numpy as jnp
import numpy as np

NUM_USERS = 100000
NUM_ITEMS = 100000
EMBED_DIM = 128
BATCH = 16384


def setup_inputs(seed: int = 0) -> dict:
    key = jax.random.key(seed)
    k1, k2, k3 = jax.random.split(key, 3)
    inputs = jax.random.randint(k1, (BATCH, 2), 0, NUM_USERS, dtype=jnp.int64) if jax.config.jax_enable_x64 else jax.random.randint(k1, (BATCH, 2), 0, NUM_USERS, dtype=jnp.int32)
    # he_normal initializer: stddev = sqrt(2 / fan_in); for Embedding fan_in = embedding_dim
    std = np.sqrt(2.0 / EMBED_DIM)
    user_table = jax.random.normal(k2, (NUM_USERS, EMBED_DIM), dtype=jnp.float32) * std
    item_table = jax.random.normal(k3, (NUM_ITEMS, EMBED_DIM), dtype=jnp.float32) * std
    return {"inputs": inputs, "user_table": user_table, "item_table": item_table}


def reference(inputs, user_table, item_table):
    user_id = inputs[:, 0]
    item_id = inputs[:, 1]
    user_vec = jnp.take(user_table, user_id, axis=0)
    item_vec = jnp.take(item_table, item_id, axis=0)
    interaction = user_vec * item_vec
    score = jnp.sum(interaction, axis=1)
    predicted_ratings = 1.0 + 4.0 * jax.nn.sigmoid(score)
    return predicted_ratings


if False:  # reference __main__ guard neutralized (emitter)
    out = reference(**setup_inputs())
    print(out.shape, out.dtype)

if __name__ == "__main__":
    import jax
    _d = setup_inputs()
    print(jax.jit(kernel)(*tuple(_d.values())))

</pallas_src>

<mosaic_0001>
#map = affine_map<(d0, d1) -> (0)>
#map1 = affine_map<(d0, d1) -> (0, 0)>
module attributes {stable_mosaic.version = 14 : i64} {
  func.func @_sc_kernel_body(%arg0: i32, %arg1: i32, %arg2: memref<16384xi32, #tpu.memory_space<hbm>>, %arg3: memref<16384xi32, #tpu.memory_space<hbm>>, %arg4: memref<100000x128xf32, #tpu.memory_space<hbm>>, %arg5: memref<100000x128xf32, #tpu.memory_space<hbm>>, %arg6: memref<16384xf32, #tpu.memory_space<hbm>>, %arg7: memref<512xi32, #tpu.memory_space<vmem>>, %arg8: memref<512xi32, #tpu.memory_space<vmem>>, %arg9: memref<2x64x128xf32, #tpu.memory_space<vmem>>, %arg10: memref<2x64x128xf32, #tpu.memory_space<vmem>>, %arg11: memref<64x16xf32, #tpu.memory_space<vmem>>, %arg12: memref<512xf32, #tpu.memory_space<vmem>>, %arg13: memref<!tpu.dma_semaphore, #tpu.memory_space<semaphore_mem>>, %arg14: memref<!tpu.dma_semaphore, #tpu.memory_space<semaphore_mem>>, %arg15: memref<!tpu.dma_semaphore, #tpu.memory_space<semaphore_mem>>, %arg16: memref<!tpu.dma_semaphore, #tpu.memory_space<semaphore_mem>>) attributes {dimension_semantics = [#tpu.dimension_semantics<core_parallel>, #tpu.dimension_semantics<subcore_parallel>], iteration_bounds = array<i64: 2, 16>, scalar_prefetch = 0 : i64, scratch_operands = 10 : i64, tpu.core_type = #tpu.core_type<sc_vector_subcore>, window_params = [{transform_indices = #map}, {transform_indices = #map}, {transform_indices = #map1}, {transform_indices = #map1}, {transform_indices = #map}]} {
    %mul3A = arith.constant 2 : i32
    %mul3A_0 = arith.muli %arg1, %mul3A : i32
    %add3A = arith.addi %mul3A_0, %arg0 : i32
    %mul3A_1 = arith.constant 512 : i32
    %mul3A_2 = arith.muli %add3A, %mul3A_1 : i32
    %dma_start3A = tpu.memref_slice %arg2[%mul3A_2] : memref<16384xi32, #tpu.memory_space<hbm>> -> memref<512xi32, #tpu.memory_space<hbm>>
    %dma_start3A_3 = tpu.memref_slice %arg2[%mul3A_2] : memref<16384xi32, #tpu.memory_space<hbm>> -> memref<512xi32, #tpu.memory_space<hbm>>
    tpu.enqueue_dma source(%dma_start3A_3 : memref<512xi32, #tpu.memory_space<hbm>>) target(%arg7 : memref<512xi32, #tpu.memory_space<vmem>>) target_semaphore(%arg13 : memref<!tpu.dma_semaphore, #tpu.memory_space<semaphore_mem>>)
    %dma_start3A_4 = tpu.memref_slice %arg3[%mul3A_2] : memref<16384xi32, #tpu.memory_space<hbm>> -> memref<512xi32, #tpu.memory_space<hbm>>
    %dma_start3A_5 = tpu.memref_slice %arg3[%mul3A_2] : memref<16384xi32, #tpu.memory_space<hbm>> -> memref<512xi32, #tpu.memory_space<hbm>>
    tpu.enqueue_dma source(%dma_start3A_5 : memref<512xi32, #tpu.memory_space<hbm>>) target(%arg8 : memref<512xi32, #tpu.memory_space<vmem>>) target_semaphore(%arg15 : memref<!tpu.dma_semaphore, #tpu.memory_space<semaphore_mem>>)
    %dma_wait3A = tpu.memref_slice %arg2[%mul3A_2] : memref<16384xi32, #tpu.memory_space<hbm>> -> memref<512xi32, #tpu.memory_space<hbm>>
    %dma_wait3A_6 = tpu.memref_slice %arg2[%mul3A_2] : memref<16384xi32, #tpu.memory_space<hbm>> -> memref<512xi32, #tpu.memory_space<hbm>>
    tpu.wait_dma2 semaphore(%arg13 : memref<!tpu.dma_semaphore, #tpu.memory_space<semaphore_mem>>) src(%dma_wait3A_6 : memref<512xi32, #tpu.memory_space<hbm>>) dst(%arg7 : memref<512xi32, #tpu.memory_space<vmem>>)
    %dma_wait3A_7 = tpu.memref_slice %arg3[%mul3A_2] : memref<16384xi32, #tpu.memory_space<hbm>> -> memref<512xi32, #tpu.memory_space<hbm>>
    %dma_wait3A_8 = tpu.memref_slice %arg3[%mul3A_2] : memref<16384xi32, #tpu.memory_space<hbm>> -> memref<512xi32, #tpu.memory_space<hbm>>
    tpu.wait_dma2 semaphore(%arg15 : memref<!tpu.dma_semaphore, #tpu.memory_space<semaphore_mem>>) src(%dma_wait3A_8 : memref<512xi32, #tpu.memory_space<hbm>>) dst(%arg8 : memref<512xi32, #tpu.memory_space<vmem>>)
    %dma_start3A_9 = arith.constant 0 : i32
    %dma_start3A_10 = arith.constant 0 : i32
    %dma_start3A_11 = arith.constant 0 : i32
    %dma_start3A_12 = tpu.memref_slice %arg9[%dma_start3A_9, %dma_start3A_10, %dma_start3A_11] : memref<2x64x128xf32, #tpu.memory_space<vmem>> -> memref<1x64x128xf32, #tpu.memory_space<vmem>>
    %dma_start3A_13 = tpu.memref_squeeze %dma_start3A_12 : memref<1x64x128xf32, #tpu.memory_space<vmem>> -> memref<64x128xf32, #tpu.memory_space<vmem>>
    %dma_start3A_14 = arith.constant 0 : i32
    %dma_start3A_15 = tpu.memref_slice %arg7[%dma_start3A_14] : memref<512xi32, #tpu.memory_space<vmem>> -> memref<64xi32, #tpu.memory_space<vmem>>
    %dma_start3A_16 = arith.constant 0 : i32
    %dma_start3A_17 = arith.constant 0 : i32
    %dma_start3A_18 = tpu.memref_slice %arg4[%dma_start3A_16, %dma_start3A_17] : memref<100000x128xf32, #tpu.memory_space<hbm>> -> memref<100000x128xf32, #tpu.memory_space<hbm>>
    tpu.enqueue_indirect_dma source(%dma_start3A_18 : memref<100000x128xf32, #tpu.memory_space<hbm>>) target(%dma_start3A_13 : memref<64x128xf32, #tpu.memory_space<vmem>>) offsets(%dma_start3A_15 : memref<64xi32, #tpu.memory_space<vmem>>) semaphore(%arg13 : memref<!tpu.dma_semaphore, #tpu.memory_space<semaphore_mem>>)
    %dma_start3A_19 = arith.constant 0 : i32
    %dma_start3A_20 = arith.constant 0 : i32
    %dma_start3A_21 = arith.constant 0 : i32
    %dma_start3A_22 = tpu.memref_slice %arg10[%dma_start3A_19, %dma_start3A_20, %dma_start3A_21] : memref<2x64x128xf32, #tpu.memory_space<vmem>> -> memref<1x64x128xf32, #tpu.memory_space<vmem>>
    %dma_start3A_23 = tpu.memref_squeeze %dma_start3A_22 : memref<1x64x128xf32, #tpu.memory_space<vmem>> -> memref<64x128xf32, #tpu.memory_space<vmem>>
    %dma_start3A_24 = arith.constant 0 : i32
    %dma_start3A_25 = tpu.memref_slice %arg8[%dma_start3A_24] : memref<512xi32, #tpu.memory_space<vmem>> -> memref<64xi32, #tpu.memory_space<vmem>>
    %dma_start3A_26 = arith.constant 0 : i32
    %dma_start3A_27 = arith.constant 0 : i32
    %dma_start3A_28 = tpu.memref_slice %arg5[%dma_start3A_26, %dma_start3A_27] : memref<100000x128xf32, #tpu.memory_space<hbm>> -> memref<100000x128xf32, #tpu.memory_space<hbm>>
    tpu.enqueue_indirect_dma source(%dma_start3A_28 : memref<100000x128xf32, #tpu.memory_space<hbm>>) target(%dma_start3A_23 : memref<64x128xf32, #tpu.memory_space<vmem>>) offsets(%dma_start3A_25 : memref<64xi32, #tpu.memory_space<vmem>>) semaphore(%arg15 : memref<!tpu.dma_semaphore, #tpu.memory_space<semaphore_mem>>)
    %dma_start3A_29 = arith.constant 1 : i32
    %dma_start3A_30 = arith.constant 0 : i32
    %dma_start3A_31 = arith.constant 0 : i32
    %dma_start3A_32 = tpu.memref_slice %arg9[%dma_start3A_29, %dma_start3A_30, %dma_start3A_31] : memref<2x64x128xf32, #tpu.memory_space<vmem>> -> memref<1x64x128xf32, #tpu.memory_space<vmem>>
    %dma_start3A_33 = tpu.memref_squeeze %dma_start3A_32 : memref<1x64x128xf32, #tpu.memory_space<vmem>> -> memref<64x128xf32, #tpu.memory_space<vmem>>
    %dma_start3A_34 = arith.constant 64 : i32
    %dma_start3A_35 = tpu.memref_slice %arg7[%dma_start3A_34] : memref<512xi32, #tpu.memory_space<vmem>> -> memref<64xi32, #tpu.memory_space<vmem>>
    %dma_start3A_36 = arith.constant 0 : i32
    %dma_start3A_37 = arith.constant 0 : i32
    %dma_start3A_38 = tpu.memref_slice %arg4[%dma_start3A_36, %dma_start3A_37] : memref<100000x128xf32, #tpu.memory_space<hbm>> -> memref<100000x128xf32, #tpu.memory_space<hbm>>
    tpu.enqueue_indirect_dma source(%dma_start3A_38 : memref<100000x128xf32, #tpu.memory_space<hbm>>) target(%dma_start3A_33 : memref<64x128xf32, #tpu.memory_space<vmem>>) offsets(%dma_start3A_35 : memref<64xi32, #tpu.memory_space<vmem>>) semaphore(%arg14 : memref<!tpu.dma_semaphore, #tpu.memory_space<semaphore_mem>>)
    %dma_start3A_39 = arith.constant 1 : i32
    %dma_start3A_40 = arith.constant 0 : i32
    %dma_start3A_41 = arith.constant 0 : i32
    %dma_start3A_42 = tpu.memref_slice %arg10[%dma_start3A_39, %dma_start3A_40, %dma_start3A_41] : memref<2x64x128xf32, #tpu.memory_space<vmem>> -> memref<1x64x128xf32, #tpu.memory_space<vmem>>
    %dma_start3A_43 = tpu.memref_squeeze %dma_start3A_42 : memref<1x64x128xf32, #tpu.memory_space<vmem>> -> memref<64x128xf32, #tpu.memory_space<vmem>>
    %dma_start3A_44 = arith.constant 64 : i32
    %dma_start3A_45 = tpu.memref_slice %arg8[%dma_start3A_44] : memref<512xi32, #tpu.memory_space<vmem>> -> memref<64xi32, #tpu.memory_space<vmem>>
    %dma_start3A_46 = arith.constant 0 : i32
    %dma_start3A_47 = arith.constant 0 : i32
    %dma_start3A_48 = tpu.memref_slice %arg5[%dma_start3A_46, %dma_start3A_47] : memref<100000x128xf32, #tpu.memory_space<hbm>> -> memref<100000x128xf32, #tpu.memory_space<hbm>>
    tpu.enqueue_indirect_dma source(%dma_start3A_48 : memref<100000x128xf32, #tpu.memory_space<hbm>>) target(%dma_start3A_43 : memref<64x128xf32, #tpu.memory_space<vmem>>) offsets(%dma_start3A_45 : memref<64xi32, #tpu.memory_space<vmem>>) semaphore(%arg16 : memref<!tpu.dma_semaphore, #tpu.memory_space<semaphore_mem>>)
    %iota3A = tpu.iota {dimensions = array<i32: 0>} : vector<16xi32>
    %scan3A = arith.constant 0 : i32
    %scan3A_49 = arith.constant 0 : i32
    %scan3A_50 = arith.constant 8 : i32
    %scan3A_51 = arith.addi %scan3A_49, %scan3A_50 : i32
    %scan3A_52 = arith.constant 1 : i32
    scf.for %scan3A_54 = %scan3A_49 to %scan3A_51 step %scan3A_52  : i32 {
      %jit3A = arith.constant 2 : i32
      %eq3A = arith.constant 0 : i32
      %eq3A_55 = arith.cmpi eq, %jit3A, %eq3A : i32
      %jit3A_56 = arith.constant 1 : i32
      %select_n3A = arith.select %eq3A_55, %jit3A_56, %jit3A : i32
      %rem3A = arith.remsi %scan3A_54, %select_n3A : i32
      %ne3A = arith.constant 0 : i32
      %ne3A_57 = arith.cmpi ne, %rem3A, %ne3A : i32
      %lt3A = arith.constant 0 : i32
      %lt3A_58 = arith.cmpi slt, %rem3A, %lt3A : i32
      %lt3A_59 = arith.constant 0 : i32
      %lt3A_60 = arith.cmpi slt, %select_n3A, %lt3A_59 : i32
      %ne3A_61 = arith.xori %lt3A_58, %lt3A_60 : i1
      %and3A = arith.andi %ne3A_61, %ne3A_57 : i1
      %add3A_62 = arith.addi %rem3A, %select_n3A : i32
      %select_n3A_63 = arith.select %and3A, %add3A_62, %rem3A : i32
      %eq3A_64 = arith.constant 0 : i32
      %eq3A_65 = arith.cmpi eq, %select_n3A_63, %eq3A_64 : i32
      %convert_element_type3A = arith.extui %eq3A_65 : i1 to i32
      %cond3A = arith.constant 0 : i32
      %cond3A_66 = arith.constant 0 : i32
      %cond3A_67 = arith.cmpi ne, %convert_element_type3A, %cond3A_66 : i32
      %cond3A_68 = scf.if %cond3A_67 -> (i32) {
        %dma_wait3A_87 = arith.constant 0 : i32
        %dma_wait3A_88 = arith.constant 0 : i32
        %dma_wait3A_89 = arith.constant 0 : i32
        %dma_wait3A_90 = tpu.memref_slice %arg9[%dma_wait3A_87, %dma_wait3A_88, %dma_wait3A_89] : memref<2x64x128xf32, #tpu.memory_space<vmem>> -> memref<1x64x128xf32, #tpu.memory_space<vmem>>
        %dma_wait3A_91 = tpu.memref_squeeze %dma_wait3A_90 : memref<1x64x128xf32, #tpu.memory_space<vmem>> -> memref<64x128xf32, #tpu.memory_space<vmem>>
        %dma_wait3A_92 = arith.constant 0 : i32
        %dma_wait3A_93 = tpu.memref_slice %arg7[%dma_wait3A_92] : memref<512xi32, #tpu.memory_space<vmem>> -> memref<64xi32, #tpu.memory_space<vmem>>
        %dma_wait3A_94 = arith.constant 0 : i32
        %dma_wait3A_95 = arith.constant 0 : i32
        %dma_wait3A_96 = tpu.memref_slice %arg4[%dma_wait3A_94, %dma_wait3A_95] : memref<100000x128xf32, #tpu.memory_space<hbm>> -> memref<100000x128xf32, #tpu.memory_space<hbm>>
        tpu.wait_indirect_dma semaphore(%arg13 : memref<!tpu.dma_semaphore, #tpu.memory_space<semaphore_mem>>) src(%dma_wait3A_96 : memref<100000x128xf32, #tpu.memory_space<hbm>>) dst(%dma_wait3A_91 : memref<64x128xf32, #tpu.memory_space<vmem>>)
        %dma_wait3A_97 = arith.constant 0 : i32
        %dma_wait3A_98 = arith.constant 0 : i32
        %dma_wait3A_99 = arith.constant 0 : i32
        %dma_wait3A_100 = tpu.memref_slice %arg10[%dma_wait3A_97, %dma_wait3A_98, %dma_wait3A_99] : memref<2x64x128xf32, #tpu.memory_space<vmem>> -> memref<1x64x128xf32, #tpu.memory_space<vmem>>
        %dma_wait3A_101 = tpu.memref_squeeze %dma_wait3A_100 : memref<1x64x128xf32, #tpu.memory_space<vmem>> -> memref<64x128xf32, #tpu.memory_space<vmem>>
        %dma_wait3A_102 = arith.constant 0 : i32
        %dma_wait3A_103 = tpu.memref_slice %arg8[%dma_wait3A_102] : memref<512xi32, #tpu.memory_space<vmem>> -> memref<64xi32, #tpu.memory_space<vmem>>
        %dma_wait3A_104 = arith.constant 0 : i32
        %dma_wait3A_105 = arith.constant 0 : i32
        %dma_wait3A_106 = tpu.memref_slice %arg5[%dma_wait3A_104, %dma_wait3A_105] : memref<100000x128xf32, #tpu.memory_space<hbm>> -> memref<100000x128xf32, #tpu.memory_space<hbm>>
        tpu.wait_indirect_dma semaphore(%arg15 : memref<!tpu.dma_semaphore, #tpu.memory_space<semaphore_mem>>) src(%dma_wait3A_106 : memref<100000x128xf32, #tpu.memory_space<hbm>>) dst(%dma_wait3A_101 : memref<64x128xf32, #tpu.memory_space<vmem>>)
        %cond3A_107 = arith.constant 0 : i32
        scf.yield %cond3A_107 : i32
      } else {
        %dma_wait3A_87 = arith.constant 1 : i32
        %dma_wait3A_88 = arith.constant 0 : i32
        %dma_wait3A_89 = arith.constant 0 : i32
        %dma_wait3A_90 = tpu.memref_slice %arg9[%dma_wait3A_87, %dma_wait3A_88, %dma_wait3A_89] : memref<2x64x128xf32, #tpu.memory_space<vmem>> -> memref<1x64x128xf32, #tpu.memory_space<vmem>>
        %dma_wait3A_91 = tpu.memref_squeeze %dma_wait3A_90 : memref<1x64x128xf32, #tpu.memory_space<vmem>> -> memref<64x128xf32, #tpu.memory_space<vmem>>
        %dma_wait3A_92 = arith.constant 0 : i32
        %dma_wait3A_93 = tpu.memref_slice %arg7[%dma_wait3A_92] : memref<512xi32, #tpu.memory_space<vmem>> -> memref<64xi32, #tpu.memory_space<vmem>>
        %dma_wait3A_94 = arith.constant 0 : i32
        %dma_wait3A_95 = arith.constant 0 : i32
        %dma_wait3A_96 = tpu.memref_slice %arg4[%dma_wait3A_94, %dma_wait3A_95] : memref<100000x128xf32, #tpu.memory_space<hbm>> -> memref<100000x128xf32, #tpu.memory_space<hbm>>
        tpu.wait_indirect_dma semaphore(%arg14 : memref<!tpu.dma_semaphore, #tpu.memory_space<semaphore_mem>>) src(%dma_wait3A_96 : memref<100000x128xf32, #tpu.memory_space<hbm>>) dst(%dma_wait3A_91 : memref<64x128xf32, #tpu.memory_space<vmem>>)
        %dma_wait3A_97 = arith.constant 1 : i32
        %dma_wait3A_98 = arith.constant 0 : i32
        %dma_wait3A_99 = arith.constant 0 : i32
        %dma_wait3A_100 = tpu.memref_slice %arg10[%dma_wait3A_97, %dma_wait3A_98, %dma_wait3A_99] : memref<2x64x128xf32, #tpu.memory_space<vmem>> -> memref<1x64x128xf32, #tpu.memory_space<vmem>>
        %dma_wait3A_101 = tpu.memref_squeeze %dma_wait3A_100 : memref<1x64x128xf32, #tpu.memory_space<vmem>> -> memref<64x128xf32, #tpu.memory_space<vmem>>
        %dma_wait3A_102 = arith.constant 0 : i32
        %dma_wait3A_103 = tpu.memref_slice %arg8[%dma_wait3A_102] : memref<512xi32, #tpu.memory_space<vmem>> -> memref<64xi32, #tpu.memory_space<vmem>>
        %dma_wait3A_104 = arith.constant 0 : i32
        %dma_wait3A_105 = arith.constant 0 : i32
        %dma_wait3A_106 = tpu.memref_slice %arg5[%dma_wait3A_104, %dma_wait3A_105] : memref<100000x128xf32, #tpu.memory_space<hbm>> -> memref<100000x128xf32, #tpu.memory_space<hbm>>
        tpu.wait_indirect_dma semaphore(%arg16 : memref<!tpu.dma_semaphore, #tpu.memory_space<semaphore_mem>>) src(%dma_wait3A_106 : memref<100000x128xf32, #tpu.memory_space<hbm>>) dst(%dma_wait3A_101 : memref<64x128xf32, #tpu.memory_space<vmem>>)
        %cond3A_107 = arith.constant 0 : i32
        scf.yield %cond3A_107 : i32
      }
      %parallel_loop3A = arith.constant 0 : i32
      %parallel_loop3A_69 = arith.constant 64 : i32
      %parallel_loop3A_70 = arith.constant 1 : i32
      scf.for %parallel_loop3A_87 = %parallel_loop3A to %parallel_loop3A_69 step %parallel_loop3A_70  : i32 {
        %parallel_loop3A_88 = arith.index_cast %select_n3A_63 : i32 to index
        %parallel_loop3A_89 = arith.index_cast %parallel_loop3A_87 : i32 to index
        %parallel_loop3A_90 = arith.constant 0 : index
        %parallel_loop3A_91 = tpu.vector_load %arg9[%parallel_loop3A_88, %parallel_loop3A_89, %parallel_loop3A_90] {strides = array<i32>} : memref<2x64x128xf32, #tpu.memory_space<vmem>>, vector<16xf32>,
        %parallel_loop3A_92 = arith.index_cast %select_n3A_63 : i32 to index
        %parallel_loop3A_93 = arith.index_cast %parallel_loop3A_87 : i32 to index
        %parallel_loop3A_94 = arith.constant 0 : index
        %parallel_loop3A_95 = tpu.vector_load %arg10[%parallel_loop3A_92, %parallel_loop3A_93, %parallel_loop3A_94] {strides = array<i32>} : memref<2x64x128xf32, #tpu.memory_space<vmem>>, vector<16xf32>,
        %parallel_loop3A_96 = arith.mulf %parallel_loop3A_91, %parallel_loop3A_95 : vector<16xf32>
        %parallel_loop3A_97 = arith.index_cast %select_n3A_63 : i32 to index
        %parallel_loop3A_98 = arith.index_cast %parallel_loop3A_87 : i32 to index
        %parallel_loop3A_99 = arith.constant 16 : index
        %parallel_loop3A_100 = tpu.vector_load %arg9[%parallel_loop3A_97, %parallel_loop3A_98, %parallel_loop3A_99] {strides = array<i32>} : memref<2x64x128xf32, #tpu.memory_space<vmem>>, vector<16xf32>,
        %parallel_loop3A_101 = arith.index_cast %select_n3A_63 : i32 to index
        %parallel_loop3A_102 = arith.index_cast %parallel_loop3A_87 : i32 to index
        %parallel_loop3A_103 = arith.constant 16 : index
        %parallel_loop3A_104 = tpu.vector_load %arg10[%parallel_loop3A_101, %parallel_loop3A_102, %parallel_loop3A_103] {strides = array<i32>} : memref<2x64x128xf32, #tpu.memory_space<vmem>>, vector<16xf32>,
        %parallel_loop3A_105 = arith.mulf %parallel_loop3A_100, %parallel_loop3A_104 : vector<16xf32>
        %parallel_loop3A_106 = arith.index_cast %select_n3A_63 : i32 to index
        %parallel_loop3A_107 = arith.index_cast %parallel_loop3A_87 : i32 to index
        %parallel_loop3A_108 = arith.constant 32 : index
        %parallel_loop3A_109 = tpu.vector_load %arg9[%parallel_loop3A_106, %parallel_loop3A_107, %parallel_loop3A_108] {strides = array<i32>} : memref<2x64x128xf32, #tpu.memory_space<vmem>>, vector<16xf32>,
        %parallel_loop3A_110 = arith.index_cast %select_n3A_63 : i32 to index
        %parallel_loop3A_111 = arith.index_cast %parallel_loop3A_87 : i32 to index
        %parallel_loop3A_112 = arith.constant 32 : index
        %parallel_loop3A_113 = tpu.vector_load %arg10[%parallel_loop3A_110, %parallel_loop3A_111, %parallel_loop3A_112] {strides = array<i32>} : memref<2x64x128xf32, #tpu.memory_space<vmem>>, vector<16xf32>,
        %parallel_loop3A_114 = arith.mulf %parallel_loop3A_109, %parallel_loop3A_113 : vector<16xf32>
        %parallel_loop3A_115 = arith.index_cast %select_n3A_63 : i32 to index
        %parallel_loop3A_116 = arith.index_cast %parallel_loop3A_87 : i32 to index
        %parallel_loop3A_117 = arith.constant 48 : index
        %parallel_loop3A_118 = tpu.vector_load %arg9[%parallel_loop3A_115, %parallel_loop3A_116, %parallel_loop3A_117] {strides = array<i32>} : memref<2x64x128xf32, #tpu.memory_space<vmem>>, vector<16xf32>,
        %parallel_loop3A_119 = arith.index_cast %select_n3A_63 : i32 to index
        %parallel_loop3A_120 = arith.index_cast %parallel_loop3A_87 : i32 to index
        %parallel_loop3A_121 = arith.constant 48 : index
        %parallel_loop3A_122 = tpu.vector_load %arg10[%parallel_loop3A_119, %parallel_loop3A_120, %parallel_loop3A_121] {strides = array<i32>} : memref<2x64x128xf32, #tpu.memory_space<vmem>>, vector<16xf32>,
        %parallel_loop3A_123 = arith.mulf %parallel_loop3A_118, %parallel_loop3A_122 : vector<16xf32>
        %parallel_loop3A_124 = arith.index_cast %select_n3A_63 : i32 to index
        %parallel_loop3A_125 = arith.index_cast %parallel_loop3A_87 : i32 to index
        %parallel_loop3A_126 = arith.constant 64 : index
        %parallel_loop3A_127 = tpu.vector_load %arg9[%parallel_loop3A_124, %parallel_loop3A_125, %parallel_loop3A_126] {strides = array<i32>} : memref<2x64x128xf32, #tpu.memory_space<vmem>>, vector<16xf32>,
        %parallel_loop3A_128 = arith.index_cast %select_n3A_63 : i32 to index
        %parallel_loop3A_129 = arith.index_cast %parallel_loop3A_87 : i32 to index
        %parallel_loop3A_130 = arith.constant 64 : index
        %parallel_loop3A_131 = tpu.vector_load %arg10[%parallel_loop3A_128, %parallel_loop3A_129, %parallel_loop3A_130] {strides = array<i32>} : memref<2x64x128xf32, #tpu.memory_space<vmem>>, vector<16xf32>,
        %parallel_loop3A_132 = arith.mulf %parallel_loop3A_127, %parallel_loop3A_131 : vector<16xf32>
        %parallel_loop3A_133 = arith.index_cast %select_n3A_63 : i32 to index
        %parallel_loop3A_134 = arith.index_cast %parallel_loop3A_87 : i32 to index
        %parallel_loop3A_135 = arith.constant 80 : index
        %parallel_loop3A_136 = tpu.vector_load %arg9[%parallel_loop3A_133, %parallel_loop3A_134, %parallel_loop3A_135] {strides = array<i32>} : memref<2x64x128xf32, #tpu.memory_space<vmem>>, vector<16xf32>,
        %parallel_loop3A_137 = arith.index_cast %select_n3A_63 : i32 to index
        %parallel_loop3A_138 = arith.index_cast %parallel_loop3A_87 : i32 to index
        %parallel_loop3A_139 = arith.constant 80 : index
        %parallel_loop3A_140 = tpu.vector_load %arg10[%parallel_loop3A_137, %parallel_loop3A_138, %parallel_loop3A_139] {strides = array<i32>} : memref<2x64x128xf32, #tpu.memory_space<vmem>>, vector<16xf32>,
        %parallel_loop3A_141 = arith.mulf %parallel_loop3A_136, %parallel_loop3A_140 : vector<16xf32>
        %parallel_loop3A_142 = arith.index_cast %select_n3A_63 : i32 to index
        %parallel_loop3A_143 = arith.index_cast %parallel_loop3A_87 : i32 to index
        %parallel_loop3A_144 = arith.constant 96 : index
        %parallel_loop3A_145 = tpu.vector_load %arg9[%parallel_loop3A_142, %parallel_loop3A_143, %parallel_loop3A_144] {strides = array<i32>} : memref<2x64x128xf32, #tpu.memory_space<vmem>>, vector<16xf32>,
        %parallel_loop3A_146 = arith.index_cast %select_n3A_63 : i32 to index
        %parallel_loop3A_147 = arith.index_cast %parallel_loop3A_87 : i32 to index
        %parallel_loop3A_148 = arith.constant 96 : index
        %parallel_loop3A_149 = tpu.vector_load %arg10[%parallel_loop3A_146, %parallel_loop3A_147, %parallel_loop3A_148] {strides = array<i32>} : memref<2x64x128xf32, #tpu.memory_space<vmem>>, vector<16xf32>,
        %parallel_loop3A_150 = arith.mulf %parallel_loop3A_145, %parallel_loop3A_149 : vector<16xf32>
        %parallel_loop3A_151 = arith.index_cast %select_n3A_63 : i32 to index
        %parallel_loop3A_152 = arith.index_cast %parallel_loop3A_87 : i32 to index
        %parallel_loop3A_153 = arith.constant 112 : index
        %parallel_loop3A_154 = tpu.vector_load %arg9[%parallel_loop3A_151, %parallel_loop3A_152, %parallel_loop3A_153] {strides = array<i32>} : memref<2x64x128xf32, #tpu.memory_space<vmem>>, vector<16xf32>,
        %parallel_loop3A_155 = arith.index_cast %select_n3A_63 : i32 to index
        %parallel_loop3A_156 = arith.index_cast %parallel_loop3A_87 : i32 to index
        %parallel_loop3A_157 = arith.constant 112 : index
        %parallel_loop3A_158 = tpu.vector_load %arg10[%parallel_loop3A_155, %parallel_loop3A_156, %parallel_loop3A_157] {strides = array<i32>} : memref<2x64x128xf32, #tpu.memory_space<vmem>>, vector<16xf32>,
        %parallel_loop3A_159 = arith.mulf %parallel_loop3A_154, %parallel_loop3A_158 : vector<16xf32>
        %parallel_loop3A_160 = arith.addf %parallel_loop3A_96, %parallel_loop3A_105 : vector<16xf32>
        %parallel_loop3A_161 = arith.addf %parallel_loop3A_114, %parallel_loop3A_123 : vector<16xf32>
        %parallel_loop3A_162 = arith.addf %parallel_loop3A_132, %parallel_loop3A_141 : vector<16xf32>
        %parallel_loop3A_163 = arith.addf %parallel_loop3A_150, %parallel_loop3A_159 : vector<16xf32>
        %parallel_loop3A_164 = arith.addf %parallel_loop3A_160, %parallel_loop3A_161 : vector<16xf32>
        %parallel_loop3A_165 = arith.addf %parallel_loop3A_162, %parallel_loop3A_163 : vector<16xf32>
        %parallel_loop3A_166 = arith.addf %parallel_loop3A_164, %parallel_loop3A_165 : vector<16xf32>
        %parallel_loop3A_167 = arith.index_cast %parallel_loop3A_87 : i32 to index
        %parallel_loop3A_168 = arith.constant 0 : index
        %parallel_loop3A_169 = tpu.vector_load %arg11[%parallel_loop3A_167, %parallel_loop3A_168] {strides = array<i32>} : memref<64x16xf32, #tpu.memory_space<vmem>>, vector<16xf32>,
        tpu.vector_store %arg11[%parallel_loop3A_167, %parallel_loop3A_168], %parallel_loop3A_166 {strides = array<i32>} : memref<64x16xf32, #tpu.memory_space<vmem>>, vector<16xf32>,
      } {sc.loop_unroll_factor = 4 : i64, sc.parallel_access}
      %parallel_loop3A_71 = arith.constant 0 : i32
      %parallel_loop3A_72 = arith.constant 4 : i32
      %parallel_loop3A_73 = arith.constant 1 : i32
      scf.for %parallel_loop3A_87 = %parallel_loop3A_71 to %parallel_loop3A_72 step %parallel_loop3A_73  : i32 {
        %parallel_loop3A_88 = arith.constant 16 : i32
        %parallel_loop3A_89 = arith.muli %parallel_loop3A_87, %parallel_loop3A_88 : i32
        %parallel_loop3A_90 = vector.broadcast %parallel_loop3A_89 : i32 to vector<16xi32>
        %parallel_loop3A_91 = arith.addi %parallel_loop3A_90, %iota3A : vector<16xi32>
        %parallel_loop3A_92 = arith.constant 0 : i32
        %parallel_loop3A_93 = vector.broadcast %parallel_loop3A_92 : i32 to vector<16xi32>
        %parallel_loop3A_94 = tpu.vector_load_idx %arg11[%parallel_loop3A_91, %parallel_loop3A_93] : memref<64x16xf32, #tpu.memory_space<vmem>>[vector<16xi32>, vector<16xi32>], vector<16xf32>,
        %parallel_loop3A_95 = arith.constant 1 : i32
        %parallel_loop3A_96 = vector.broadcast %parallel_loop3A_95 : i32 to vector<16xi32>
        %parallel_loop3A_97 = tpu.vector_load_idx %arg11[%parallel_loop3A_91, %parallel_loop3A_96] : memref<64x16xf32, #tpu.memory_space<vmem>>[vector<16xi32>, vector<16xi32>], vector<16xf32>,
        %parallel_loop3A_98 = arith.constant 2 : i32
        %parallel_loop3A_99 = vector.broadcast %parallel_loop3A_98 : i32 to vector<16xi32>
        %parallel_loop3A_100 = tpu.vector_load_idx %arg11[%parallel_loop3A_91, %parallel_loop3A_99] : memref<64x16xf32, #tpu.memory_space<vmem>>[vector<16xi32>, vector<16xi32>], vector<16xf32>,
        %parallel_loop3A_101 = arith.constant 3 : i32
        %parallel_loop3A_102 = vector.broadcast %parallel_loop3A_101 : i32 to vector<16xi32>
        %parallel_loop3A_103 = tpu.vector_load_idx %arg11[%parallel_loop3A_91, %parallel_loop3A_102] : memref<64x16xf32, #tpu.memory_space<vmem>>[vector<16xi32>, vector<16xi32>], vector<16xf32>,
        %parallel_loop3A_104 = arith.constant 4 : i32
        %parallel_loop3A_105 = vector.broadcast %parallel_loop3A_104 : i32 to vector<16xi32>
        %parallel_loop3A_106 = tpu.vector_load_idx %arg11[%parallel_loop3A_91, %parallel_loop3A_105] : memref<64x16xf32, #tpu.memory_space<vmem>>[vector<16xi32>, vector<16xi32>], vector<16xf32>,
        %parallel_loop3A_107 = arith.constant 5 : i32
        %parallel_loop3A_108 = vector.broadcast %parallel_loop3A_107 : i32 to vector<16xi32>
        %parallel_loop3A_109 = tpu.vector_load_idx %arg11[%parallel_loop3A_91, %parallel_loop3A_108] : memref<64x16xf32, #tpu.memory_space<vmem>>[vector<16xi32>, vector<16xi32>], vector<16xf32>,
        %parallel_loop3A_110 = arith.constant 6 : i32
        %parallel_loop3A_111 = vector.broadcast %parallel_loop3A_110 : i32 to vector<16xi32>
        %parallel_loop3A_112 = tpu.vector_load_idx %arg11[%parallel_loop3A_91, %parallel_loop3A_111] : memref<64x16xf32, #tpu.memory_space<vmem>>[vector<16xi32>, vector<16xi32>], vector<16xf32>,
        %parallel_loop3A_113 = arith.constant 7 : i32
        %parallel_loop3A_114 = vector.broadcast %parallel_loop3A_113 : i32 to vector<16xi32>
        %parallel_loop3A_115 = tpu.vector_load_idx %arg11[%parallel_loop3A_91, %parallel_loop3A_114] : memref<64x16xf32, #tpu.memory_space<vmem>>[vector<16xi32>, vector<16xi32>], vector<16xf32>,
        %parallel_loop3A_116 = arith.constant 8 : i32
        %parallel_loop3A_117 = vector.broadcast %parallel_loop3A_116 : i32 to vector<16xi32>
        %parallel_loop3A_118 = tpu.vector_load_idx %arg11[%parallel_loop3A_91, %parallel_loop3A_117] : memref<64x16xf32, #tpu.memory_space<vmem>>[vector<16xi32>, vector<16xi32>], vector<16xf32>,
        %parallel_loop3A_119 = arith.constant 9 : i32
        %parallel_loop3A_120 = vector.broadcast %parallel_loop3A_119 : i32 to vector<16xi32>
        %parallel_loop3A_121 = tpu.vector_load_idx %arg11[%parallel_loop3A_91, %parallel_loop3A_120] : memref<64x16xf32, #tpu.memory_space<vmem>>[vector<16xi32>, vector<16xi32>], vector<16xf32>,
        %parallel_loop3A_122 = arith.constant 10 : i32
        %parallel_loop3A_123 = vector.broadcast %parallel_loop3A_122 : i32 to vector<16xi32>
        %parallel_loop3A_124 = tpu.vector_load_idx %arg11[%parallel_loop3A_91, %parallel_loop3A_123] : memref<64x16xf32, #tpu.memory_space<vmem>>[vector<16xi32>, vector<16xi32>], vector<16xf32>,
        %parallel_loop3A_125 = arith.constant 11 : i32
        %parallel_loop3A_126 = vector.broadcast %parallel_loop3A_125 : i32 to vector<16xi32>
        %parallel_loop3A_127 = tpu.vector_load_idx %arg11[%parallel_loop3A_91, %parallel_loop3A_126] : memref<64x16xf32, #tpu.memory_space<vmem>>[vector<16xi32>, vector<16xi32>], vector<16xf32>,
        %parallel_loop3A_128 = arith.constant 12 : i32
        %parallel_loop3A_129 = vector.broadcast %parallel_loop3A_128 : i32 to vector<16xi32>
        %parallel_loop3A_130 = tpu.vector_load_idx %arg11[%parallel_loop3A_91, %parallel_loop3A_129] : memref<64x16xf32, #tpu.memory_space<vmem>>[vector<16xi32>, vector<16xi32>], vector<16xf32>,
        %parallel_loop3A_131 = arith.constant 13 : i32
        %parallel_loop3A_132 = vector.broadcast %parallel_loop3A_131 : i32 to vector<16xi32>
        %parallel_loop3A_133 = tpu.vector_load_idx %arg11[%parallel_loop3A_91, %parallel_loop3A_132] : memref<64x16xf32, #tpu.memory_space<vmem>>[vector<16xi32>, vector<16xi32>], vector<16xf32>,
        %parallel_loop3A_134 = arith.constant 14 : i32
        %parallel_loop3A_135 = vector.broadcast %parallel_loop3A_134 : i32 to vector<16xi32>
        %parallel_loop3A_136 = tpu.vector_load_idx %arg11[%parallel_loop3A_91, %parallel_loop3A_135] : memref<64x16xf32, #tpu.memory_space<vmem>>[vector<16xi32>, vector<16xi32>], vector<16xf32>,
        %parallel_loop3A_137 = arith.constant 15 : i32
        %parallel_loop3A_138 = vector.broadcast %parallel_loop3A_137 : i32 to vector<16xi32>
        %parallel_loop3A_139 = tpu.vector_load_idx %arg11[%parallel_loop3A_91, %parallel_loop3A_138] : memref<64x16xf32, #tpu.memory_space<vmem>>[vector<16xi32>, vector<16xi32>], vector<16xf32>,
        %parallel_loop3A_140 = arith.addf %parallel_loop3A_94, %parallel_loop3A_97 : vector<16xf32>
        %parallel_loop3A_141 = arith.addf %parallel_loop3A_100, %parallel_loop3A_103 : vector<16xf32>
        %parallel_loop3A_142 = arith.addf %parallel_loop3A_106, %parallel_loop3A_109 : vector<16xf32>
        %parallel_loop3A_143 = arith.addf %parallel_loop3A_112, %parallel_loop3A_115 : vector<16xf32>
        %parallel_loop3A_144 = arith.addf %parallel_loop3A_118, %parallel_loop3A_121 : vector<16xf32>
        %parallel_loop3A_145 = arith.addf %parallel_loop3A_124, %parallel_loop3A_127 : vector<16xf32>
        %parallel_loop3A_146 = arith.addf %parallel_loop3A_130, %parallel_loop3A_133 : vector<16xf32>
        %parallel_loop3A_147 = arith.addf %parallel_loop3A_136, %parallel_loop3A_139 : vector<16xf32>
        %parallel_loop3A_148 = arith.addf %parallel_loop3A_140, %parallel_loop3A_141 : vector<16xf32>
        %parallel_loop3A_149 = arith.addf %parallel_loop3A_142, %parallel_loop3A_143 : vector<16xf32>
        %parallel_loop3A_150 = arith.addf %parallel_loop3A_144, %parallel_loop3A_145 : vector<16xf32>
        %parallel_loop3A_151 = arith.addf %parallel_loop3A_146, %parallel_loop3A_147 : vector<16xf32>
        %parallel_loop3A_152 = arith.addf %parallel_loop3A_148, %parallel_loop3A_149 : vector<16xf32>
        %parallel_loop3A_153 = arith.addf %parallel_loop3A_150, %parallel_loop3A_151 : vector<16xf32>
        %parallel_loop3A_154 = arith.addf %parallel_loop3A_152, %parallel_loop3A_153 : vector<16xf32>
        %parallel_loop3A_155 = arith.constant 0.000000e+00 : f32
        %parallel_loop3A_156 = vector.broadcast %parallel_loop3A_155 : f32 to vector<16xf32>
        %parallel_loop3A_157 = arith.subf %parallel_loop3A_156, %parallel_loop3A_154 : vector<16xf32>
        %parallel_loop3A_158 = math.exp %parallel_loop3A_157 : vector<16xf32>
        %parallel_loop3A_159 = arith.constant 1.000000e+00 : f32
        %parallel_loop3A_160 = vector.broadcast %parallel_loop3A_159 : f32 to vector<16xf32>
        %parallel_loop3A_161 = arith.addf %parallel_loop3A_160, %parallel_loop3A_158 : vector<16xf32>
        %parallel_loop3A_162 = arith.constant 4.000000e+00 : f32
        %parallel_loop3A_163 = vector.broadcast %parallel_loop3A_162 : f32 to vector<16xf32>
        %parallel_loop3A_164 = arith.divf %parallel_loop3A_163, %parallel_loop3A_161 : vector<16xf32>
        %parallel_loop3A_165 = arith.constant 1.000000e+00 : f32
        %parallel_loop3A_166 = vector.broadcast %parallel_loop3A_165 : f32 to vector<16xf32>
        %parallel_loop3A_167 = arith.addf %parallel_loop3A_166, %parallel_loop3A_164 : vector<16xf32>
        %parallel_loop3A_168 = arith.constant 64 : i32
        %parallel_loop3A_169 = arith.muli %scan3A_54, %parallel_loop3A_168 : i32
        %parallel_loop3A_170 = arith.constant 16 : i32
        %parallel_loop3A_171 = arith.muli %parallel_loop3A_87, %parallel_loop3A_170 : i32
        %parallel_loop3A_172 = arith.addi %parallel_loop3A_169, %parallel_loop3A_171 : i32
        %parallel_loop3A_173 = arith.index_cast %parallel_loop3A_172 : i32 to index
        %parallel_loop3A_174 = tpu.vector_load %arg12[%parallel_loop3A_173] {strides = array<i32>} : memref<512xf32, #tpu.memory_space<vmem>>, vector<16xf32>,
        tpu.vector_store %arg12[%parallel_loop3A_173], %parallel_loop3A_167 {strides = array<i32>} : memref<512xf32, #tpu.memory_space<vmem>>, vector<16xf32>,
      } {sc.loop_unroll_factor = 2 : i64, sc.parallel_access}
      %add3A_74 = arith.constant 2 : i32
      %add3A_75 = arith.addi %scan3A_54, %add3A_74 : i32
      %lt3A_76 = arith.constant 8 : i32
      %lt3A_77 = arith.cmpi slt, %add3A_75, %lt3A_76 : i32
      %jit3A_78 = arith.constant 2 : i32
      %select_n3A_79 = arith.select %lt3A_77, %select_n3A_63, %jit3A_78 : i32
      %clamp3A = arith.constant 0 : i32
      %clamp3A_80 = arith.constant 2 : i32
      %clamp3A_81 = arith.maxsi %select_n3A_79, %clamp3A : i32
      %clamp3A_82 = arith.minsi %clamp3A_81, %clamp3A_80 : i32
      %cond3A_83 = arith.constant 0 : i32
      %cond3A_84 = arith.constant 0 : i32
      %cond3A_85 = arith.cmpi ne, %clamp3A_82, %cond3A_84 : i32
      %cond3A_86 = scf.if %cond3A_85 -> (i32) {
        %cond3A_87 = arith.constant 1 : i32
        %cond3A_88 = arith.subi %clamp3A_82, %cond3A_87 : i32
        %cond3A_89 = arith.constant 0 : i32
        %cond3A_90 = arith.cmpi ne, %cond3A_88, %cond3A_89 : i32
        %cond3A_91 = scf.if %cond3A_90 -> (i32) {
          %cond3A_92 = arith.constant 0 : i32
          scf.yield %cond3A_92 : i32
        } else {
          %mul3A_92 = arith.constant 64 : i32
          %mul3A_93 = arith.muli %add3A_75, %mul3A_92 : i32
          %dma_start3A_94 = arith.constant 1 : i32
          %dma_start3A_95 = arith.constant 0 : i32
          %dma_start3A_96 = arith.constant 0 : i32
          %dma_start3A_97 = tpu.memref_slice %arg9[%dma_start3A_94, %dma_start3A_95, %dma_start3A_96] : memref<2x64x128xf32, #tpu.memory_space<vmem>> -> memref<1x64x128xf32, #tpu.memory_space<vmem>>
          %dma_start3A_98 = tpu.memref_squeeze %dma_start3A_97 : memref<1x64x128xf32, #tpu.memory_space<vmem>> -> memref<64x128xf32, #tpu.memory_space<vmem>>
          %dma_start3A_99 = tpu.memref_slice %arg7[%mul3A_93] : memref<512xi32, #tpu.memory_space<vmem>> -> memref<64xi32, #tpu.memory_space<vmem>>
          %dma_start3A_100 = arith.constant 0 : i32
          %dma_start3A_101 = arith.constant 0 : i32
          %dma_start3A_102 = tpu.memref_slice %arg4[%dma_start3A_100, %dma_start3A_101] : memref<100000x128xf32, #tpu.memory_space<hbm>> -> memref<100000x128xf32, #tpu.memory_space<hbm>>
          tpu.enqueue_indirect_dma source(%dma_start3A_102 : memref<100000x128xf32, #tpu.memory_space<hbm>>) target(%dma_start3A_98 : memref<64x128xf32, #tpu.memory_space<vmem>>) offsets(%dma_start3A_99 : memref<64xi32, #tpu.memory_space<vmem>>) semaphore(%arg14 : memref<!tpu.dma_semaphore, #tpu.memory_space<semaphore_mem>>)
          %mul3A_103 = arith.constant 64 : i32
          %mul3A_104 = arith.muli %add3A_75, %mul3A_103 : i32
          %dma_start3A_105 = arith.constant 1 : i32
          %dma_start3A_106 = arith.constant 0 : i32
          %dma_start3A_107 = arith.constant 0 : i32
          %dma_start3A_108 = tpu.memref_slice %arg10[%dma_start3A_105, %dma_start3A_106, %dma_start3A_107] : memref<2x64x128xf32, #tpu.memory_space<vmem>> -> memref<1x64x128xf32, #tpu.memory_space<vmem>>
          %dma_start3A_109 = tpu.memref_squeeze %dma_start3A_108 : memref<1x64x128xf32, #tpu.memory_space<vmem>> -> memref<64x128xf32, #tpu.memory_space<vmem>>
          %dma_start3A_110 = tpu.memref_slice %arg8[%mul3A_104] : memref<512xi32, #tpu.memory_space<vmem>> -> memref<64xi32, #tpu.memory_space<vmem>>
          %dma_start3A_111 = arith.constant 0 : i32
          %dma_start3A_112 = arith.constant 0 : i32
          %dma_start3A_113 = tpu.memref_slice %arg5[%dma_start3A_111, %dma_start3A_112] : memref<100000x128xf32, #tpu.memory_space<hbm>> -> memref<100000x128xf32, #tpu.memory_space<hbm>>
          tpu.enqueue_indirect_dma source(%dma_start3A_113 : memref<100000x128xf32, #tpu.memory_space<hbm>>) target(%dma_start3A_109 : memref<64x128xf32, #tpu.memory_space<vmem>>) offsets(%dma_start3A_110 : memref<64xi32, #tpu.memory_space<vmem>>) semaphore(%arg16 : memref<!tpu.dma_semaphore, #tpu.memory_space<semaphore_mem>>)
          %cond3A_114 = arith.constant 0 : i32
          scf.yield %cond3A_114 : i32
        }
        scf.yield %cond3A_91 : i32
      } else {
        %mul3A_87 = arith.constant 64 : i32
        %mul3A_88 = arith.muli %add3A_75, %mul3A_87 : i32
        %dma_start3A_89 = arith.constant 0 : i32
        %dma_start3A_90 = arith.constant 0 : i32
        %dma_start3A_91 = arith.constant 0 : i32
        %dma_start3A_92 = tpu.memref_slice %arg9[%dma_start3A_89, %dma_start3A_90, %dma_start3A_91] : memref<2x64x128xf32, #tpu.memory_space<vmem>> -> memref<1x64x128xf32, #tpu.memory_space<vmem>>
        %dma_start3A_93 = tpu.memref_squeeze %dma_start3A_92 : memref<1x64x128xf32, #tpu.memory_space<vmem>> -> memref<64x128xf32, #tpu.memory_space<vmem>>
        %dma_start3A_94 = tpu.memref_slice %arg7[%mul3A_88] : memref<512xi32, #tpu.memory_space<vmem>> -> memref<64xi32, #tpu.memory_space<vmem>>
        %dma_start3A_95 = arith.constant 0 : i32
        %dma_start3A_96 = arith.constant 0 : i32
        %dma_start3A_97 = tpu.memref_slice %arg4[%dma_start3A_95, %dma_start3A_96] : memref<100000x128xf32, #tpu.memory_space<hbm>> -> memref<100000x128xf32, #tpu.memory_space<hbm>>
        tpu.enqueue_indirect_dma source(%dma_start3A_97 : memref<100000x128xf32, #tpu.memory_space<hbm>>) target(%dma_start3A_93 : memref<64x128xf32, #tpu.memory_space<vmem>>) offsets(%dma_start3A_94 : memref<64xi32, #tpu.memory_space<vmem>>) semaphore(%arg13 : memref<!tpu.dma_semaphore, #tpu.memory_space<semaphore_mem>>)
        %mul3A_98 = arith.constant 64 : i32
        %mul3A_99 = arith.muli %add3A_75, %mul3A_98 : i32
        %dma_start3A_100 = arith.constant 0 : i32
        %dma_start3A_101 = arith.constant 0 : i32
        %dma_start3A_102 = arith.constant 0 : i32
        %dma_start3A_103 = tpu.memref_slice %arg10[%dma_start3A_100, %dma_start3A_101, %dma_start3A_102] : memref<2x64x128xf32, #tpu.memory_space<vmem>> -> memref<1x64x128xf32, #tpu.memory_space<vmem>>
        %dma_start3A_104 = tpu.memref_squeeze %dma_start3A_103 : memref<1x64x128xf32, #tpu.memory_space<vmem>> -> memref<64x128xf32, #tpu.memory_space<vmem>>
        %dma_start3A_105 = tpu.memref_slice %arg8[%mul3A_99] : memref<512xi32, #tpu.memory_space<vmem>> -> memref<64xi32, #tpu.memory_space<vmem>>
        %dma_start3A_106 = arith.constant 0 : i32
        %dma_start3A_107 = arith.constant 0 : i32
        %dma_start3A_108 = tpu.memref_slice %arg5[%dma_start3A_106, %dma_start3A_107] : memref<100000x128xf32, #tpu.memory_space<hbm>> -> memref<100000x128xf32, #tpu.memory_space<hbm>>
        tpu.enqueue_indirect_dma source(%dma_start3A_108 : memref<100000x128xf32, #tpu.memory_space<hbm>>) target(%dma_start3A_104 : memref<64x128xf32, #tpu.memory_space<vmem>>) offsets(%dma_start3A_105 : memref<64xi32, #tpu.memory_space<vmem>>) semaphore(%arg15 : memref<!tpu.dma_semaphore, #tpu.memory_space<semaphore_mem>>)
        %cond3A_109 = arith.constant 0 : i32
        scf.yield %cond3A_109 : i32
      }
    }
    %scan3A_53 = arith.constant 8 : i32
    "tpu.region"() ({
      %run_scoped3A = tpu.sem_alloc : memref<!tpu.dma_semaphore, #tpu.memory_space<semaphore_mem>>
      %dma_start3A_54 = tpu.memref_slice %arg6[%mul3A_2] : memref<16384xf32, #tpu.memory_space<hbm>> -> memref<512xf32, #tpu.memory_space<hbm>>
      %dma_start3A_55 = tpu.memref_slice %arg6[%mul3A_2] : memref<16384xf32, #tpu.memory_space<hbm>> -> memref<512xf32, #tpu.memory_space<hbm>>
      tpu.enqueue_dma source(%arg12 : memref<512xf32, #tpu.memory_space<vmem>>) target(%dma_start3A_55 : memref<512xf32, #tpu.memory_space<hbm>>) target_semaphore(%run_scoped3A : memref<!tpu.dma_semaphore, #tpu.memory_space<semaphore_mem>>)
      %dma_wait3A_56 = tpu.memref_slice %arg6[%mul3A_2] : memref<16384xf32, #tpu.memory_space<hbm>> -> memref<512xf32, #tpu.memory_space<hbm>>
      %dma_wait3A_57 = tpu.memref_slice %arg6[%mul3A_2] : memref<16384xf32, #tpu.memory_space<hbm>> -> memref<512xf32, #tpu.memory_space<hbm>>
      tpu.wait_dma2 semaphore(%run_scoped3A : memref<!tpu.dma_semaphore, #tpu.memory_space<semaphore_mem>>) src(%arg12 : memref<512xf32, #tpu.memory_space<vmem>>) dst(%dma_wait3A_57 : memref<512xf32, #tpu.memory_space<hbm>>)
      tpu.yield
    }) : () -> ()
    return
  }
}

</mosaic_0001>

<sc_bundles>
// kernel: kernel.3.cloned.1.call-start
scs
__scs_entry_jumppad:
0x0: {  	(pc) =	sbr.rel $0x88, $3  }
0x1: {  	(tag) =	ssettag $0x0;
	lr =	simm.s32 $0x1  }
0x2: {  	[smem:$0x3F9E] =	sst lr;
	_ =	strace $0xD0000000  }
0x3: {  	_ = 	snop  }
0x4: {  	_ = 	snop  }
0x5: {  	_ = 	snop  }
0x6: {  	_ = 	snop  }
0x7: {  	_ = 	snop  }
__scs_overlays_trampoline_lowered:
0x8: {  	[smem:$0x3FAD] =	sst s0  }
0x9: {  	[smem:$0x3FAE] =	sst s1  }
0xa: {  	[smem:$0x3FAF] =	sst s2  }
0xb: {  	[smem:$0x3FB0] =	sst s3  }
0xc: {  	[smem:$0x3FB1] =	sst s4  }
0xd: {  	[smem:$0x3FB2] =	sst s5  }
0xe: {  	[smem:$0x3FB3] =	sst s6  }
0xf: {  	[smem:$0x3FB4] =	sst s7  }
0x10: {  	[smem:$0x3FB5] =	sst s8  }
0x11: {  	[smem:$0x3FB6] =	sst s9;
	s0 =	simm.s32 @!p0 $0x0  }
0x12: {  	s1 =	sld [smem:$0x3F9C];
	s0 =	simm.s32 @p0 $0x1  }
0x13: {  	[smem:$0x3FB7] =	sst s0;
	s0 =	simm.s32 @!p1 $0x0  }
0x14: {  	s2 =	sld [smem:$0x3F9B];
	s0 =	simm.s32 @p1 $0x1  }
0x15: {  	[smem:$0x3FB8] =	sst s0;
	s0 =	simm.s32 @!p2 $0x0  }
0x16: {  	s3 =	sld [smem:$0x3FDB];
	s0 =	simm.s32 @p2 $0x1  }
0x17: {  	s4 =	simm.s32 $0x1BF5;
	[smem:$0x3FBA] =	sst s0  }
0x18: {  	s0 =	sld [smem:$0x3F9D];
	_ =	swait.ge [sflag:s4], $0x0  }
0x19: {  	s7 =	sld [smem:$0x3F9E]  }
0x1a: {  	s8 =	sadd.s32 $0xFFFFE003, lr  }
0x1b: {  	s9 =	sadd.s32 $0xFFFFFEF7, lr;
	s5 =	simm.s32 $0xFFFFFFFF;
	p2 =	slt.u32 s8, $0xFFFFF086  }
0x1c: {  	p1 =	slt.u32 s9, $0xF7A;
	s5 =	simm.s32 @!p2 $0x0  }
0x1d: {  	s5 =	simm.s32 @p1 $0x1;
	p0 =	seq.s32 s7, s2  }
0x1e: {  	s7 =	smul.u32 @!p0 $0xF7A, s2;
	p2 =	seq.s32 @!p0 s5, $0x0  }
0x1f: {  	s9 =	smul.u32 $0xF7A, s1;
	s8 =	simm.s32 @!p0 $0x1BF5;
	p2 =	por !p2, p0  }
0x20: {  	[sflag:s8] =	ssyncset.s32 @!p0 $0xFFFFF086;
	s6 =	sadd.s32 @!p0 s3, s7;
	s7 =	simm.s32 @!p0 $0x108  }
0x21: {  	s3 =	sadd.s32 s3, s9;
	s6 =	sadd.s32 @!p0 $0x88, s6;
	s7 =	simm.s32 @p2 $0x1082  }
0x22: {  	[simem:s7], [sflag:s8] =	dma.local @!p0 [hbm:s6], $0xF7A  }
0x23: {  	s9 =	sor.u32 $0xD0000000, s2;
	s6 =	simm.s32 $0x108;
	_ =	swait.ge @!p0 [sflag:s8], $0x0  }
0x24: {  	s3 =	sadd.s32 $0x88, s3;
	s6 =	simm.s32 @!p1 $0x1082;
	[sflag:s4] =	ssyncset.s32 $0xFFFFF086  }
0x25: {  	[simem:s6], [sflag:s4] =	dma.local [hbm:s3], $0xF7A  }
0x26: {  	[smem:$0x3F9E] =	sst s1;
	(tag) =	ssettag s2;
	_ =	strace s9  }
0x27: {  	s1 =	sld [smem:$0x3FAE]  }
0x28: {  	s2 =	sld [smem:$0x3FAF]  }
0x29: {  	s4 =	sld [smem:$0x3FB1]  }
0x2a: {  	p0 =	seq.s32 s5, $0x0;
	s5 =	sld [smem:$0x3FB2]  }
0x2b: {  	s6 =	sld [smem:$0x3FB3]  }
0x2c: {  	s7 =	sld [smem:$0x3FB4]  }
0x2d: {  	s3 =	simm.s32 $0x108;
	s8 =	sld [smem:$0x3FB5]  }
0x2e: {  	s3 =	simm.s32 @!p0 $0x1082;
	s9 =	sld [smem:$0x3FB6]  }
0x2f: {  	lr =	sadd.s32 s0, s3;
	s0 =	sld [smem:$0x3FAD]  }
0x30: {  	s3 =	sld [smem:$0x3FB0]  }
0x31: {  	[smem:$0x3FB9] =	sst s10  }
0x32: {  	s10 =	sld [smem:$0x3FB7];
	_ =	sdelay $0x3  }
0x33: {  	p0 =	seq.s32 s10, $0x1;
	s10 =	sld [smem:$0x3FB9];
	_ =	sdelay $0x3  }
0x34: {  	[smem:$0x3FB9] =	sst s10  }
0x35: {  	s10 =	sld [smem:$0x3FB8];
	_ =	sdelay $0x3  }
0x36: {  	p1 =	seq.s32 s10, $0x1;
	s10 =	sld [smem:$0x3FB9];
	_ =	sdelay $0x3  }
0x37: {  	[smem:$0x3FB9] =	sst s10  }
0x38: {  	s10 =	sld [smem:$0x3FBA]  }
0x39: {  	_ = 	snop;
	(pc) =	sbr.ind lr, $3  }
0x3a: {  	_ = 	snop  }
0x3b: {  	_ = 	snop  }
0x3c: {  	p2 =	seq.s32 s10, $0x1;
	s10 =	sld [smem:$0x3FB9]  }
0x3d: {  	_ =	shalt  }
0x3e: {  	_ =	shalt  }
0x3f: {  	_ =	shalt  }
0x40: {  	_ =	shalt  }
0x41: {  	_ =	shalt  }
0x42: {  	_ =	shalt  }
0x43: {  	_ =	shalt  }
0x44: {  	_ =	shalt  }
0x45: {  	_ =	shalt  }
0x46: {  	_ =	shalt  }
0x47: {  	_ =	shalt  }
0x48: {  	_ =	shalt  }
0x49: {  	_ =	shalt  }
0x4a: {  	_ =	shalt  }
0x4b: {  	_ =	shalt  }
0x4c: {  	_ =	shalt  }
0x4d: {  	_ =	shalt  }
0x4e: {  	_ =	shalt  }
0x4f: {  	_ =	shalt  }
0x50: {  	_ =	shalt  }
0x51: {  	_ =	shalt  }
0x52: {  	_ =	shalt  }
0x53: {  	_ =	shalt  }
0x54: {  	_ =	shalt  }
0x55: {  	_ =	shalt  }
0x56: {  	_ =	shalt  }
0x57: {  	_ =	shalt  }
0x58: {  	_ =	shalt  }
0x59: {  	_ =	shalt  }
0x5a: {  	_ =	shalt  }
0x5b: {  	_ =	shalt  }
0x5c: {  	_ =	shalt  }
0x5d: {  	_ =	shalt  }
0x5e: {  	_ =	shalt  }
0x5f: {  	_ =	shalt  }
0x60: {  	_ =	shalt  }
0x61: {  	_ =	shalt  }
0x62: {  	_ =	shalt  }
0x63: {  	_ =	shalt  }
0x64: {  	_ =	shalt  }
0x65: {  	_ =	shalt  }
0x66: {  	_ =	shalt  }
0x67: {  	_ =	shalt  }
0x68: {  	_ =	shalt  }
0x69: {  	_ =	shalt  }
0x6a: {  	_ =	shalt  }
0x6b: {  	_ =	shalt  }
0x6c: {  	_ =	shalt  }
0x6d: {  	_ =	shalt  }
0x6e: {  	_ =	shalt  }
0x6f: {  	_ =	shalt  }
0x70: {  	_ =	shalt  }
0x71: {  	_ =	shalt  }
0x72: {  	_ =	shalt  }
0x73: {  	_ =	shalt  }
0x74: {  	_ =	shalt  }
0x75: {  	_ =	shalt  }
0x76: {  	_ =	shalt  }
0x77: {  	_ =	shalt  }
0x78: {  	_ =	shalt  }
0x79: {  	_ =	shalt  }
0x7a: {  	_ =	shalt  }
0x7b: {  	_ =	shalt  }
0x7c: {  	_ =	shalt  }
0x7d: {  	_ =	shalt  }
0x7e: {  	_ =	shalt  }
0x7f: {  	_ =	shalt  }
0x80: {  	_ =	shalt  }
0x81: {  	_ =	shalt  }
0x82: {  	_ =	shalt  }
0x83: {  	_ =	shalt  }
0x84: {  	_ =	shalt  }
0x85: {  	_ =	shalt  }
0x86: {  	_ =	shalt  }
0x87: {  	_ =	shalt  }
.Lfunc_end0:
.L_simem_size_0:
called_computation_lowered:
.L_overlay_start_0:
0x88: {  	s2 =	sld [smem:$0x3FD9]  }
0x89: {  	s3 =	sld [smem:$0x3FFE];
	_ =	sdelay $0x1  }
0x8a: {  	s1 =	srdreg.scid  }
0x8b: {  	s0 =	sand.u32 $0x1, s1  }
0x8c: {  	s17 =	sshll.u32 s0, $0xA;
	s2 =	sadd.s32 s3, s2  }
0x8d: {  	s2 =	sadd.s32 s2, s17  }
0x8e: {  	[smem:$0x3FC5] =	sst s2  }
0x8f: {  	_ = 	snop  }
0x90: {  	s2 =	sld [smem:$0x3FC8]  }
0x91: {  	s18 =	sld [smem:$0x3FC7]  }
0x92: {  	s4 =	sld [smem:$0x3FD0];
	(tm) =	ssettm $0x1  }
0x93: {  	s5 =	sld [smem:$0x3FFB];
	_ =	sdelay $0x3  }
0x94: {  	_ =	strace s5  }
0x95: {  	s5 =	sld [smem:$0x3FFC];
	_ =	sdelay $0x3  }
0x96: {  	_ =	strace s5  }
0x97: {  	s5 =	sld [smem:$0x3FFD];
	_ =	sdelay $0x3  }
0x98: {  	_ =	strace s5  }
0x99: {  	_ =	strace $0x8FFFFFFF  }
0x9a: {  	s19 =	sld [smem:$0x3FDB];
	_ =	sdelay $0x1  }
0x9b: {  	s6 =	simm.s32 $_scs_section_size  }
0x9c: {  	s7 =	simm.s32 $_size__tile_overlayer_lowered;
	s8 =	simm.s32 $_tile_overlayer_lowered  }
0x9d: {  	s22 =	simm.s32 $0x1BFF;
	s21 =	sshll.u32 s8, $0x1;
	s5 =	sadd.s32 s6, s19  }
0x9e: {  	s9 =	simm.s32 $0x0;
	s20 =	sshll.u32 s7, $0x1;
	s7 =	sadd.s32 s21, s5  }
0x9f: {  	[timem:s9], [sflag:s22] =	dma.local [hbm:s7], s20  }
0xa0: {  	_ =	swait.ge [sflag:s22], s20  }
0xa1: {  	s6 =	ssub.s32 $0x0, s20;
	[sflag:s22] =	ssyncset.done $0x0  }
0xa2: {  	[sflag:s22] =	ssyncadd.s32 s6;
	_ =	sdelay $0x1  }
0xa3: {  	s23 =	simm.s32 $0x1B8B  }
0xa4: {  	_ =	swait.ge [sflag:s23], $0x1  }
0xa5: {  	[sflag:s23] =	ssyncset.done $0x0  }
0xa6: {  	s25 =	simm.s32 $0x1B8E;
	s24 =	sld [smem:$0x3FFE];
	[sflag:s23] =	ssyncadd.s32 $0xFFFFFFFF  }
0xa7: {  	s26 =	simm.s32 $execute0_lowered;
	[smem:$0x3FD2] =	sst s25  }
0xa8: {  	s7 =	sshll.u32 s26, $0x1;
	_ =	strace $0x80000046;
	[dreg:$0x1] =	wrdreg $0xFFFFFFFF  }
0xa9: {  	s28 =	simm.s32 $_size_execute0_lowered;
	s5 =	sadd.s32 s5, s7;
	[dreg:$0x0] =	wrdreg $0x0  }
0xaa: {  	s7 =	sshll.u32 s28, $0x1;
	[dreg:$0x2] =	wrdreg s5  }
0xab: {  	[dreg:$0x3] =	wrdreg s7  }
0xac: {  	[dreg:$0x4] =	wrdreg $0xC0  }
0xad: {  	_ =	task [dreg:s9], $0x5FFFF  }
0xae: {  	[dreg:$0x1] =	wrdreg $0xFFFFFFFF  }
0xaf: {  	[dreg:$0x0] =	wrdreg $0x60  }
0xb0: {  	[dreg:$0x2] =	wrdreg s24  }
0xb1: {  	[dreg:$0x3] =	wrdreg s2  }
0xb2: {  	[dreg:$0x4] =	wrdreg s18  }
0xb3: {  	[dreg:$0x5] =	wrdreg s4  }
0xb4: {  	[dreg:$0x6] =	wrdreg $0x9  }
0xb5: {  	_ =	task.clear_ibuf [dreg:s9], $0x7FFFF;
	_ =	strace $0x90000046  }
0xb6: {  	s29 =	simm.s32 $0x9;
	_ =	strace $0x80000048  }
0xb7: {  	_ =	swait.ge [sflag:s29], $0x1  }
0xb8: {  	[sflag:s29] =	ssyncadd.s32 $0xFFFFFFFF  }
0xb9: {  	_ =	strace $0x90000048  }
0xba: {  	_ =	sfence  }
0xbb: {  	s30 =	sld [smem:$0x0];
	_ =	sdelay $0x2  }
0xbc: {  	s31 =	sshll.u32 s1, $0xD;
	s1 =	sshrl.u32 s1, $0x2  }
0xbd: {  	s3 =	sand.u32 $0x4000, s31;
	s1 =	sadd.s32 s1, s30  }
0xbe: {  	s0 =	sor.u32 s3, s0;
	s1 =	sshll.u32 s1, $0x11  }
0xbf: {  	s0 =	sor.u32 s1, s0  }
0xc0: {  	s0 =	sadd.s32 $0x8F2B, s0  }
0xc1: {  	[sflag:s0] =	ssyncadd.remote.s32 $0x1  }
0xc2: {  	_ =	sfence.sel $0xFFFF  }
0xc3: {  	[dreg:$0x0] =	wrdreg $0xFFFFFFFF;
	(pc) =	sbr.abs _section_cstart, $3  }
0xc4: {  	[dreg:$0x1] =	wrdreg $0xFFFFFFFF  }
0xc5: {  	_ =	task.clear_ibuf [dreg:s9], $0x2FFFF;
	_ =	strace $0x9FFFFFFF  }
0xc6: {  	(tm) =	ssettm $0x7FFFFFFF  }
0xc7: {  	_ =	shalt  }
tec
execute0_lowered:
.L_overlay_start_1:
0x0: {  	(tag) =	ssettag $0x1  }
0x1: {  	s5 =	rddreg [dreg:$0x0]  }
0x2: {  	s1 =	rddreg [dreg:$0x1]  }
0x3: {  	s3 =	rddreg [dreg:$0x2]  }
0x4: {  	s7 =	rddreg [dreg:$0x3];
	s4 =	srdreg.scid  }
0x5: {  	s0 =	rddreg [dreg:$0x4];
	s2 =	stileid.u32;
	s11 =	simm.s32 $0x3  }
0x6: {  	s12 =	simm.s32 $0x40;
	s13 =	simm.s32 $0x400;
	s14 =	simm.s32 $0x4400  }
0x7: {  	s15 =	simm.s32 $0x2400;
	s16 =	simm.s32 $0x240;
	s17 =	simm.s32 $0x6400  }
0x8: {  	s18 =	simm.s32 $0x8400;
	s19 =	simm.s32 $0xA400;
	s20 =	simm.s32 $0x5  }
0x9: {  	s21 =	simm.s32 $0x0;
	s6 =	sand.u32 $0x1, s4;
	s4 =	simm.s32 $0x0  }
0xa: {  	s8 =	sshll.u32 s2, $0x7;
	s9 =	sshll.u32 s6, $0x6;
	s6 =	ssub.s32 $0x2, s6  }
0xb: {  	[smem:$0x7FF] =	sst s4;
	s8 =	sor.u32 s9, s8;
	s31 =	sshrl.u32 s6, $0x1  }
0xc: {  	_ =	strace $0x80000047;
	s9 =	sadd.s32 s8, s5;
	s10 =	ssub.s32 s6, s31  }
0xd: {  	v0 =	vlaneseq.u32;
	s7 =	sadd.s32 s7, s8;
	s5 =	sadd.s32 $0xE00, s9;
	s6 =	sadd.s32 $0x600, s9  }
0xe: {  	v0 =	vmul.u32 $0x80, v0;
	s8 =	smax.u32 s10, $0x1;
	s9 =	simm.s32 $0x200;
	s10 =	simm.s32 $0x1  }
.LBB2_1:
0xf: {  	[tilespmem:s4], [sflag:$0x1] =	stream.linear.gather [hbm4b:s5+s4], $0x200, $0x38;
	[tilespmem:$0xA600] =	vst v63  }
0x10: {  	_ = 	snop  }
0x11: {  	[tilespmem:s9], [sflag:$0x3] =	stream.linear.gather [hbm4b:s6+s4], $0x200, $0x38;
	[tilespmem:$0xA600] =	vst v63  }
0x12: {  	_ =	swait.ge [sflag:s10], $0x200  }
0x13: {  	[sflag:s10] =	ssyncset.done $0x0  }
0x14: {  	[sflag:s10] =	ssyncadd.s32 $0xFFFFFE00  }
0x15: {  	_ =	swait.ge [sflag:s11], $0x200  }
0x16: {  	[sflag:s11] =	ssyncset.done $0x0  }
0x17: {  	[sflag:s11] =	ssyncadd.s32 $0xFFFFFE00  }
0x18: {  	[tilespmem:s13], [sflag:$0x1] =	stream.indirect.gather [hbm4b:s1+s12], $0x80, s4, s12, $0xb8;
	[tilespmem:$0xA600] =	vst v63  }
0x19: {  	_ = 	snop  }
0x1a: {  	[tilespmem:s14], [sflag:$0x3] =	stream.indirect.gather [hbm4b:s3+s12], $0x80, s9, s12, $0xb8;
	[tilespmem:$0xA600] =	vst v63  }
0x1b: {  	_ = 	snop  }
0x1c: {  	[tilespmem:s15], [sflag:$0x2] =	stream.indirect.gather [hbm4b:s1+s12], $0x80, s12, s12, $0xb8;
	[tilespmem:$0xA600] =	vst v63  }
0x1d: {  	p0 =	por $0x0, $0x0;
	s22 =	simm.s32 $0x0  }
0x1e: {  	[tilespmem:s17], [sflag:$0x4] =	stream.indirect.gather [hbm4b:s3+s12], $0x80, s16, s12, $0xb8;
	[tilespmem:$0xA600] =	vst v63  }
.LBB2_2:
0x1f: {  	s23 =	sand.u32 $0x1, s22  }
0x20: {  	s24 =	simm.s32 $0x1;
	p1 =	seq.s32 s23, $0x0  }
0x21: {  	s24 =	simm.s32 @!p1 $0x2  }
0x22: {  	_ =	swait.ge [sflag:s24], $0x2000  }
0x23: {  	s26 =	simm.s32 $0x3;
	[sflag:s24] =	ssyncset.done $0x0  }
0x24: {  	s25 =	simm.s32 $0x1;
	s26 =	simm.s32 @!p1 $0x4;
	[sflag:s24] =	ssyncadd.s32 $0xFFFFE000  }
0x25: {  	s25 =	simm.s32 @!p0 $0x0;
	_ =	swait.ge [sflag:s26], $0x2000  }
0x26: {  	s31 =	sshll.u32 s25, $0xD;
	[sflag:s26] =	ssyncset.done $0x0  }
0x27: {  	s28 =	sor.u32 $0x500, s31;
	[sflag:s26] =	ssyncadd.s32 $0xFFFFE000  }
0x28: {  	s25 =	sor.u32 $0x4500, s31;
	v2 =	vld [tilespmem:s28+$0x80]  }
0x29: {  	v3 =	vld [tilespmem:s25+$0x80]  }
0x2a: {  	v4 =	vld [tilespmem:s28+$0x90]  }
0x2b: {  	v5 =	vld [tilespmem:s25+$0x90]  }
0x2c: {  	v6 =	vld [tilespmem:s28+$0xA0]  }
0x2d: {  	v7 =	vld [tilespmem:s25+$0xA0]  }
0x2e: {  	v8 =	vld [tilespmem:s28+$0xB0]  }
0x2f: {  	v9 =	vld [tilespmem:s25+$0xB0]  }
0x30: {  	v10 =	vld [tilespmem:s28+$0xC0]  }
0x31: {  	v11 =	vld [tilespmem:s25+$0xC0]  }
0x32: {  	v12 =	vld [tilespmem:s28+$0xD0]  }
0x33: {  	v13 =	vld [tilespmem:s25+$0xD0]  }
0x34: {  	v14 =	vld [tilespmem:s28+$0xE0]  }
0x35: {  	v15 =	vld [tilespmem:s25+$0xE0]  }
0x36: {  	v16 =	vld [tilespmem:s28+$0xF0]  }
0x37: {  	v17 =	vld [tilespmem:s25+$0xF0]  }
0x38: {  	v1 =	vld [tilespmem:s25+$0xFFFFFF00]  }
0x39: {  	v18 =	vld [tilespmem:s28+$0xFFFFFF10]  }
0x3a: {  	v20 =	vld [tilespmem:s28+$0xFFFFFF20]  }
0x3b: {  	v21 =	vld [tilespmem:s25+$0xFFFFFF20]  }
0x3c: {  	v22 =	vld [tilespmem:s28+$0xFFFFFF30]  }
0x3d: {  	v23 =	vld [tilespmem:s25+$0xFFFFFF30]  }
0x3e: {  	v24 =	vld [tilespmem:s28+$0xFFFFFF40]  }
0x3f: {  	v25 =	vld [tilespmem:s25+$0xFFFFFF40]  }
0x40: {  	v26 =	vld [tilespmem:s28+$0xFFFFFF50]  }
0x41: {  	v27 =	vld [tilespmem:s25+$0xFFFFFF50]  }
0x42: {  	v28 =	vld [tilespmem:s28+$0xFFFFFF60]  }
0x43: {  	v29 =	vld [tilespmem:s25+$0xFFFFFF60]  }
0x44: {  	v30 =	vld [tilespmem:s28+$0xFFFFFF70]  }
0x45: {  	v31 =	vld [tilespmem:s25+$0xFFFFFF70]  }
0x46: {  	v32 =	vld [tilespmem:s28+$0xFFFFFF80]  }
0x47: {  	v33 =	vld [tilespmem:s25+$0xFFFFFF80]  }
0x48: {  	v34 =	vld [tilespmem:s28+$0xFFFFFF90]  }
0x49: {  	v35 =	vld [tilespmem:s25+$0xFFFFFF90]  }
0x4a: {  	v36 =	vld [tilespmem:s28+$0xFFFFFFA0]  }
0x4b: {  	v37 =	vld [tilespmem:s25+$0xFFFFFFA0]  }
0x4c: {  	v38 =	vld [tilespmem:s28+$0xFFFFFFB0]  }
0x4d: {  	v39 =	vld [tilespmem:s25+$0xFFFFFFB0]  }
0x4e: {  	v40 =	vld [tilespmem:s28+$0xFFFFFFC0]  }
0x4f: {  	v41 =	vld [tilespmem:s25+$0xFFFFFFC0]  }
0x50: {  	v42 =	vld [tilespmem:s28+$0xFFFFFFD0]  }
0x51: {  	v43 =	vld [tilespmem:s25+$0xFFFFFFD0]  }
0x52: {  	v44 =	vld [tilespmem:s28+$0xFFFFFFE0]  }
0x53: {  	v45 =	vld [tilespmem:s25+$0xFFFFFFE0]  }
0x54: {  	v55 =	vld [tilespmem:s25+$0x20];
	v2 =	vmul.f32 v3, v2  }
0x55: {  	v58 =	vld [tilespmem:s28+$0x30];
	v3 =	vmul.f32 v5, v4;
	v5 =	vmul.f32 v7, v6  }
0x56: {  	v60 =	vld [tilespmem:s25+$0x40];
	v6 =	vmul.f32 v9, v8;
	v8 =	vmul.f32 v11, v10  }
0x57: {  	v4 =	vld [tilespmem:s28+$0xFFFFFFF0];
	v9 =	vmul.f32 v13, v12;
	v11 =	vmul.f32 v15, v14  }
0x58: {  	v7 =	vld [tilespmem:s25+$0xFFFFFFF0];
	v12 =	vmul.f32 v17, v16;
	v15 =	vmul.f32 v39, v38  }
0x59: {  	v10 =	vld [tilespmem:s28+$0x0];
	v56 =	vmul.f32 v41, v40;
	v2 =	vadd.f32 v3, v2;
	v3 =	vadd.f32 v6, v5  }
0x5a: {  	v13 =	vld [tilespmem:s25+$0x0];
	v57 =	vmul.f32 v43, v42;
	v6 =	vadd.f32 v9, v8;
	v8 =	vadd.f32 v12, v11  }
0x5b: {  	v61 =	vmul.f32 v31, v30;
	v5 =	vld [tilespmem:s28+$0x10];
	v9 =	vmul.f32 v21, v20  }
0x5c: {  	v11 =	vld [tilespmem:s25+$0x10];
	v12 =	vmul.f32 v35, v34;
	v2 =	vadd.f32 v3, v2;
	v6 =	vadd.f32 v8, v6  }
0x5d: {  	v14 =	vld [tilespmem:s28+$0x20];
	v17 =	vadd.f32 v57, v56;
	v3 =	vmul.f32 v33, v32;
	v8 =	vmul.f32 v37, v36  }
0x5e: {  	v4 =	vmul.f32 v7, v4;
	v59 =	vadd.f32 v6, v2;
	v2 =	vmul.f32 v45, v44;
	v6 =	vld [tilespmem:s25+$0x30]  }
0x5f: {  	v62 =	vld [tilespmem:s28+$0x50];
	v7 =	vmul.f32 v25, v24;
	v3 =	vadd.f32 v12, v3;
	v8 =	vadd.f32 v15, v8  }
0x60: {  	v10 =	vmul.f32 v13, v10;
	v13 =	vld [tilespmem:s25+$0x50];
	v15 =	vmul.f32 v27, v26;
	v2 =	vadd.f32 v4, v2  }
0x61: {  	v12 =	vld [tilespmem:s28+$0x40];
	v5 =	vmul.f32 v11, v5;
	v4 =	vmul.f32 v29, v28;
	v3 =	vadd.f32 v8, v3  }
0x62: {  	v19 =	vld [tilespmem:s25+$0xFFFFFF10];
	v11 =	vadd.f32 v15, v7;
	v7 =	vmul.f32 v55, v14;
	v2 =	vadd.f32 v2, v17  }
0x63: {  	v15 =	vmul.f32 v23, v22;
	v8 =	vld [tilespmem:s25+$0x60];
	v5 =	vadd.f32 v5, v10;
	v14 =	vmul.f32 v6, v58  }
0x64: {  	v4 =	vadd.f32 v61, v4;
	v6 =	vld [tilespmem:s28+$0x60];
	v63 =	vadd.f32 v2, v3  }
0x65: {  	s24 =	simm.s32 $0x8500;
	v3 =	vadd.f32 v15, v9;
	v9 =	vld [tilespmem:s25+$0x70];
	v14 =	vadd.f32 v14, v7  }
0x66: {  	[tilespmem:s24+$0x80] =	vst v59;
	v10 =	vmul.f32 v60, v12;
	v12 =	vmul.f32 v13, v62;
	v7 =	vld [tilespmem:s28+$0x70]  }
0x67: {  	s26 =	simm.s32 $0x0;
	v2 =	vmul.f32 v19, v18;
	v4 =	vadd.f32 v4, v11;
	v11 =	vld [tilespmem:s28+$0xFFFFFF00];
	s28 =	sadd.s32 $0x200, s28;
	[tilespmem:s24+$0xFFFFFF80] =	vst v63;
	v5 =	vadd.f32 v14, v5  }
.LBB2_3:
0x68: {  	v13 =	vld [tilespmem:s28+$0x80];
	s25 =	sadd.s32 $0x200, s25  }
0x69: {  	v14 =	vld [tilespmem:s25+$0x80];
	v6 =	vmul.f32 v8, v6;
	v8 =	vadd.f32 v12, v10  }
0x6a: {  	v10 =	vld [tilespmem:s28+$0x90]  }
0x6b: {  	v12 =	vld [tilespmem:s25+$0x90];
	v7 =	vmul.f32 v9, v7  }
0x6c: {  	v9 =	vld [tilespmem:s28+$0xA0];
	v1 =	vmul.f32 v1, v11  }
0x6d: {  	v11 =	vld [tilespmem:s25+$0xA0];
	v6 =	vadd.f32 v7, v6  }
0x6e: {  	v7 =	vld [tilespmem:s28+$0xB0];
	v1 =	vadd.f32 v2, v1  }
0x6f: {  	v2 =	vld [tilespmem:s25+$0xB0];
	v6 =	vadd.f32 v6, v8  }
0x70: {  	v8 =	vld [tilespmem:s28+$0xC0];
	v1 =	vadd.f32 v3, v1  }
0x71: {  	v3 =	vld [tilespmem:s25+$0xC0];
	v5 =	vadd.f32 v6, v5  }
0x72: {  	v6 =	vld [tilespmem:s28+$0xD0];
	v1 =	vadd.f32 v4, v1  }
0x73: {  	v4 =	vld [tilespmem:s25+$0xD0];
	[tilespmem:s24+$0x0] =	vst v5  }
0x74: {  	v5 =	vld [tilespmem:s28+$0xE0];
	[tilespmem:s24+$0xFFFFFF00] =	vst v1  }
0x75: {  	v15 =	vld [tilespmem:s25+$0xE0]  }
0x76: {  	v16 =	vld [tilespmem:s28+$0xF0]  }
0x77: {  	s26 =	sadd.s32 $0x4, s26;
	v17 =	vld [tilespmem:s25+$0xF0]  }
0x78: {  	p1 =	slt.u32 s26, $0x3C;
	v1 =	vld [tilespmem:s25+$0xFFFFFF00]  }
0x79: {  	v13 =	vmul.f32 v14, v13;
	v10 =	vmul.f32 v12, v10;
	v18 =	vld [tilespmem:s28+$0xFFFFFF10]  }
0x7a: {  	v9 =	vmul.f32 v11, v9;
	v2 =	vmul.f32 v2, v7;
	v12 =	vld [tilespmem:s25+$0xFFFFFF10]  }
0x7b: {  	v3 =	vmul.f32 v3, v8;
	v4 =	vmul.f32 v4, v6;
	v7 =	vld [tilespmem:s28+$0xFFFFFF20]  }
0x7c: {  	v5 =	vmul.f32 v15, v5;
	v6 =	vld [tilespmem:s25+$0xFFFFFF20];
	v8 =	vmul.f32 v17, v16  }
0x7d: {  	v10 =	vadd.f32 v10, v13;
	v9 =	vadd.f32 v2, v9;
	v11 =	vld [tilespmem:s28+$0xFFFFFF30]  }
0x7e: {  	v3 =	vadd.f32 v4, v3;
	v13 =	vld [tilespmem:s25+$0xFFFFFF30];
	v4 =	vadd.f32 v8, v5  }
0x7f: {  	v2 =	vmul.f32 v12, v18;
	v5 =	vld [tilespmem:s28+$0xFFFFFF40]  }
0x80: {  	v9 =	vadd.f32 v9, v10;
	v8 =	vld [tilespmem:s25+$0xFFFFFF40];
	v3 =	vadd.f32 v4, v3  }
0x81: {  	v4 =	vmul.f32 v6, v7;
	v6 =	vld [tilespmem:s28+$0xFFFFFF50]  }
0x82: {  	v7 =	vld [tilespmem:s25+$0xFFFFFF50];
	v3 =	vadd.f32 v3, v9  }
0x83: {  	s24 =	sadd.s32 $0x200, s24;
	v9 =	vmul.f32 v13, v11;
	v10 =	vld [tilespmem:s28+$0xFFFFFF60]  }
0x84: {  	v11 =	vld [tilespmem:s25+$0xFFFFFF60];
	[tilespmem:s24+$0x80] =	vst v3  }
0x85: {  	v5 =	vmul.f32 v8, v5;
	v8 =	vld [tilespmem:s28+$0xFFFFFF70];
	v3 =	vadd.f32 v9, v4  }
0x86: {  	v4 =	vld [tilespmem:s25+$0xFFFFFF70]  }
0x87: {  	v6 =	vmul.f32 v7, v6;
	v7 =	vld [tilespmem:s28+$0xFFFFFF80]  }
0x88: {  	v9 =	vld [tilespmem:s25+$0xFFFFFF80]  }
0x89: {  	v10 =	vmul.f32 v11, v10;
	v5 =	vadd.f32 v6, v5;
	v6 =	vld [tilespmem:s28+$0xFFFFFF90]  }
0x8a: {  	v11 =	vld [tilespmem:s25+$0xFFFFFF90]  }
0x8b: {  	v4 =	vmul.f32 v4, v8;
	v8 =	vld [tilespmem:s28+$0xFFFFFFA0]  }
0x8c: {  	v12 =	vld [tilespmem:s25+$0xFFFFFFA0]  }
0x8d: {  	v4 =	vadd.f32 v4, v10;
	v7 =	vmul.f32 v9, v7;
	v9 =	vld [tilespmem:s28+$0xFFFFFFB0]  }
0x8e: {  	v10 =	vld [tilespmem:s25+$0xFFFFFFB0]  }
0x8f: {  	v4 =	vadd.f32 v4, v5;
	v5 =	vmul.f32 v11, v6;
	v6 =	vld [tilespmem:s28+$0xFFFFFFC0]  }
0x90: {  	v11 =	vld [tilespmem:s25+$0xFFFFFFC0]  }
0x91: {  	v8 =	vmul.f32 v12, v8;
	v12 =	vld [tilespmem:s28+$0xFFFFFFD0];
	v5 =	vadd.f32 v5, v7  }
0x92: {  	v7 =	vld [tilespmem:s25+$0xFFFFFFD0]  }
0x93: {  	v9 =	vmul.f32 v10, v9;
	v10 =	vld [tilespmem:s28+$0xFFFFFFE0]  }
0x94: {  	v13 =	vld [tilespmem:s25+$0xFFFFFFE0]  }
0x95: {  	v6 =	vmul.f32 v11, v6;
	v11 =	vld [tilespmem:s28+$0xFFFFFFF0];
	v8 =	vadd.f32 v9, v8  }
0x96: {  	v9 =	vld [tilespmem:s25+$0xFFFFFFF0]  }
0x97: {  	v7 =	vmul.f32 v7, v12;
	v5 =	vadd.f32 v8, v5;
	v8 =	vld [tilespmem:s28+$0x0]  }
0x98: {  	v12 =	vld [tilespmem:s25+$0x0]  }
0x99: {  	v10 =	vmul.f32 v13, v10;
	v6 =	vadd.f32 v7, v6;
	v7 =	vld [tilespmem:s28+$0x10]  }
0x9a: {  	v13 =	vld [tilespmem:s25+$0x10]  }
0x9b: {  	v9 =	vmul.f32 v9, v11;
	v11 =	vld [tilespmem:s28+$0x20]  }
0x9c: {  	v14 =	vld [tilespmem:s25+$0x20]  }
0x9d: {  	v9 =	vadd.f32 v9, v10;
	v8 =	vmul.f32 v12, v8;
	v10 =	vld [tilespmem:s28+$0x30]  }
0x9e: {  	v12 =	vld [tilespmem:s25+$0x30]  }
0x9f: {  	v6 =	vadd.f32 v9, v6;
	v7 =	vmul.f32 v13, v7;
	v9 =	vld [tilespmem:s28+$0x40]  }
0xa0: {  	v13 =	vld [tilespmem:s25+$0x40]  }
0xa1: {  	v5 =	vadd.f32 v6, v5;
	v11 =	vmul.f32 v14, v11;
	v14 =	vld [tilespmem:s28+$0x50];
	v15 =	vadd.f32 v7, v8  }
0xa2: {  	v16 =	vld [tilespmem:s25+$0x50]  }
.Ltmp0:
0xa3: {  	[tilespmem:s24+$0xFFFFFF80] =	vst v5;
	v5 =	vmul.f32 v12, v10;
	v6 =	vld [tilespmem:s28+$0x60];
	(pc) =	sbr.rel @p1 .LBB2_3-.Ltmp0, $4  }
0xa4: {  	v8 =	vld [tilespmem:s25+$0x60]  }
0xa5: {  	v10 =	vmul.f32 v13, v9;
	v7 =	vld [tilespmem:s28+$0x70];
	v5 =	vadd.f32 v5, v11  }
0xa6: {  	v9 =	vld [tilespmem:s25+$0x70]  }
0xa7: {  	v11 =	vld [tilespmem:s28+$0xFFFFFF00];
	v12 =	vmul.f32 v16, v14;
	v5 =	vadd.f32 v5, v15;
	s28 =	sadd.s32 $0x200, s28  }
0xa8: {  	_ =	sdelay $0x2  }
0xa9: {  	v6 =	vmul.f32 v8, v6;
	v7 =	vmul.f32 v9, v7  }
0xaa: {  	v1 =	vmul.f32 v1, v11  }
0xab: {  	v63 =	vadd.f32 v12, v10;
	v6 =	vadd.f32 v7, v6  }
0xac: {  	v1 =	vadd.f32 v2, v1  }
0xad: {  	v2 =	vadd.f32 v6, v63  }
0xae: {  	v1 =	vadd.f32 v3, v1  }
0xaf: {  	v2 =	vadd.f32 v2, v5  }
0xb0: {  	v1 =	vadd.f32 v4, v1  }
0xb1: {  	s31 =	sshll.u32 s22, $0x6;
	[tilespmem:s24+$0x0] =	vst v2  }
0xb2: {  	[tilespmem:s24+$0xFFFFFF00] =	vst v1;
	s24 =	sand.u32 $0x3FFFFFC0, s31  }
0xb3: {  	s25 =	sadd.s32 $0xA400, s24  }
0xb4: {  	p1 =	por $0x1, $0x1;
	s24 =	simm.s32 $0x0;
	v1 =	vmov s25  }
.LBB2_5:
0xb5: {  	v2 =	vmov s24  }
0xb6: {  	v2 =	vshll.u32 v2, $0x7  }
0xb7: {  	v2 =	vor.u32 v0, v2  }
0xb8: {  	v3 =	vor.u32 $0x1, v2  }
0xb9: {  	v4 =	vor.u32 $0x2, v2  }
0xba: {  	v5 =	vor.u32 $0x3, v2  }
0xbb: {  	v6 =	vor.u32 $0x4, v2  }
0xbc: {  	v8 =	vor.u32 $0x5, v2;
	v7 =	vld.idx.msk [tilespmem:v2+s18+$0x0], $0xffff  }
0xbd: {  	v9 =	vor.u32 $0x6, v2;
	v3 =	vld.idx.msk [tilespmem:v3+s18+$0x0], $0xffff  }
0xbe: {  	v10 =	vor.u32 $0x7, v2;
	v4 =	vld.idx.msk [tilespmem:v4+s18+$0x0], $0xffff  }
0xbf: {  	v11 =	vor.u32 $0x8, v2;
	v5 =	vld.idx.msk [tilespmem:v5+s18+$0x0], $0xffff  }
0xc0: {  	v12 =	vor.u32 $0x9, v2;
	v6 =	vld.idx.msk [tilespmem:v6+s18+$0x0], $0xffff  }
0xc1: {  	v13 =	vor.u32 $0xA, v2;
	v8 =	vld.idx.msk [tilespmem:v8+s18+$0x0], $0xffff  }
0xc2: {  	v14 =	vor.u32 $0xB, v2;
	v9 =	vld.idx.msk [tilespmem:v9+s18+$0x0], $0xffff  }
0xc3: {  	s25 =	sor.u32 $0x10, s24;
	v15 =	vor.u32 $0xC, v2;
	v10 =	vld.idx.msk [tilespmem:v10+s18+$0x0], $0xffff  }
0xc4: {  	v18 =	vmov s25;
	v16 =	vor.u32 $0xD, v2;
	v11 =	vld.idx.msk [tilespmem:v11+s18+$0x0], $0xffff  }
0xc5: {  	v18 =	vshll.u32 v18, $0x7;
	v17 =	vor.u32 $0xE, v2;
	v12 =	vld.idx.msk [tilespmem:v12+s18+$0x0], $0xffff  }
0xc6: {  	v18 =	vor.u32 v0, v18;
	v13 =	vld.idx.msk [tilespmem:v13+s18+$0x0], $0xffff  }
0xc7: {  	v19 =	vor.u32 $0x1, v18;
	v14 =	vld.idx.msk [tilespmem:v14+s18+$0x0], $0xffff  }
0xc8: {  	v20 =	vor.u32 $0x2, v18;
	v15 =	vld.idx.msk [tilespmem:v15+s18+$0x0], $0xffff  }
0xc9: {  	v2 =	vor.u32 $0xF, v2;
	v16 =	vld.idx.msk [tilespmem:v16+s18+$0x0], $0xffff  }
0xca: {  	v21 =	vor.u32 $0x3, v18;
	v17 =	vld.idx.msk [tilespmem:v17+s18+$0x0], $0xffff  }
0xcb: {  	v22 =	vor.u32 $0x4, v18;
	v23 =	vld.idx.msk [tilespmem:v18+s18+$0x0], $0xffff  }
0xcc: {  	v24 =	vor.u32 $0x5, v18;
	v19 =	vld.idx.msk [tilespmem:v19+s18+$0x0], $0xffff  }
0xcd: {  	v25 =	vor.u32 $0x6, v18;
	v20 =	vld.idx.msk [tilespmem:v20+s18+$0x0], $0xffff  }
0xce: {  	v26 =	vor.u32 $0x7, v18;
	v2 =	vld.idx.msk [tilespmem:v2+s18+$0x0], $0xffff  }
0xcf: {  	v27 =	vor.u32 $0x8, v18;
	v21 =	vld.idx.msk [tilespmem:v21+s18+$0x0], $0xffff  }
0xd0: {  	v46 =	vor.u32 $0xB, v18;
	v39 =	vld.idx.msk [tilespmem:v22+s18+$0x0], $0xffff;
	v3 =	vadd.f32 v3, v7;
	v4 =	vadd.f32 v5, v4  }
0xd1: {  	v48 =	vor.u32 $0xC, v18;
	v42 =	vld.idx.msk [tilespmem:v24+s18+$0x0], $0xffff;
	v6 =	vadd.f32 v8, v6;
	v41 =	vadd.f32 v10, v9  }
0xd2: {  	v52 =	vor.u32 $0xE, v18;
	v45 =	vld.idx.msk [tilespmem:v25+s18+$0x0], $0xffff;
	v11 =	vadd.f32 v12, v11;
	v44 =	vadd.f32 v14, v13  }
0xd3: {  	v53 =	vor.u32 $0xF, v18;
	v47 =	vld.idx.msk [tilespmem:v26+s18+$0x0], $0xffff;
	v15 =	vadd.f32 v16, v15;
	v2 =	vadd.f32 v2, v17  }
0xd4: {  	v40 =	vor.u32 $0x9, v18;
	v50 =	vld.idx.msk [tilespmem:v27+s18+$0x0], $0xffff;
	v3 =	vadd.f32 v4, v3;
	v49 =	vadd.f32 v41, v6  }
0xd5: {  	v43 =	vor.u32 $0xA, v18;
	v54 =	vld.idx.msk [tilespmem:v46+s18+$0x0], $0xffff;
	v11 =	vadd.f32 v44, v11;
	v2 =	vadd.f32 v2, v15  }
0xd6: {  	v51 =	vor.u32 $0xD, v18;
	v55 =	vld.idx.msk [tilespmem:v48+s18+$0x0], $0xffff  }
0xd7: {  	v56 =	vld.idx.msk [tilespmem:v52+s18+$0x0], $0xffff;
	v3 =	vadd.f32 v49, v3;
	v2 =	vadd.f32 v2, v11  }
0xd8: {  	v57 =	vld.idx.msk [tilespmem:v53+s18+$0x0], $0xffff  }
0xd9: {  	v7 =	vld.idx.msk [tilespmem:v40+s18+$0x0], $0xffff;
	v2 =	vadd.f32 v2, v3  }
0xda: {  	v10 =	vld.idx.msk [tilespmem:v43+s18+$0x0], $0xffff  }
0xdb: {  	v3 =	vld.idx.msk [tilespmem:v51+s18+$0x0], $0xffff;
	v2 =	vsub.f32 $0.0e+00, v2;
	_ =	sdelay $0x1  }
0xdc: {  	v58 =	vadd.f32 v19, v23;
	v59 =	vadd.f32 v21, v20;
	v2 =	vmul.f32 $1.442695020e+00, v2  }
0xdd: {  	v5 =	vadd.f32 v42, v39;
	v60 =	vadd.f32 v47, v45  }
0xde: {  	v61 =	vadd.f32 v57, v56;
	v4 =	vadd.f32 v54, v10;
	(erf) = vpow2.f32 v2  }
0xdf: {  	v3 =	vadd.f32 v3, v55;
	v2 =	vadd.f32 v7, v50  }
0xe0: {  	v62 =	vadd.f32 v59, v58;
	v5 =	vadd.f32 v60, v5  }
0xe1: {  	v3 =	vadd.f32 v61, v3;
	v2 =	vadd.f32 v4, v2;
	_ =	sdelay $0x1  }
0xe2: {  	v63 =	vadd.f32 v5, v62;
	v2 =	vadd.f32 v3, v2;
	_ =	sdelay $0x1  }
0xe3: {  	v2 =	vadd.f32 v2, v63;
	_ =	sdelay $0x1  }
0xe4: {  	v2 =	vsub.f32 $0.0e+00, v2;
	v3 =	vpop (erf)  }
0xe5: {  	v3 =	vadd.f32 $1.000000000e+00, v3  }
0xe6: {  	v2 =	vmul.f32 $1.442695020e+00, v2  }
0xe7: {  	(erf) = vrcp.f32 v3  }
0xe8: {  	(erf) = vpow2.f32 v2;
	_ =	sdelay $0x7  }
0xe9: {  	v2 =	vpop (erf)  }
0xea: {  	v3 =	vpop (erf)  }
0xeb: {  	v3 =	vadd.f32 $1.000000000e+00, v3;
	_ =	sdelay $0x1  }
0xec: {  	(erf) = vrcp.f32 v3;
	_ =	sdelay $0x8  }
0xed: {  	p2 =	por p1, p1;
	v2 =	vmul.f32 $4.000000000e+00, v2;
	v3 =	vpop (erf)  }
.Ltmp1:
0xee: {  	v3 =	vmul.f32 $4.000000000e+00, v3;
	(pc) =	sbr.rel @p2 .LBB2_5-.Ltmp1, $4  }
0xef: {  	v2 =	vadd.f32 $1.000000000e+00, v2  }
0xf0: {  	v3 =	vadd.f32 $1.000000000e+00, v3  }
0xf1: {  	[tilespmem:v1+s24+$0x0 ss:$0x1] =	vst.idx.msk $0xffff, v2  }
0xf2: {  	p1 =	por $0x0, $0x0;
	s24 =	simm.s32 $0x20;
	[tilespmem:v1+s25+$0x0 ss:$0x1] =	vst.idx.msk $0xffff, v3  }
0xf3: {  	p1 =	slt.u32 s22, $0x6  }
0xf4: {  	s23 =	simm.s32 @!p1 $0x2  }
0xf5: {  	s24 =	sadd.s32 $0x2, s22;
	p1 =	seq.s32 s23, $0x0  }
0xf6: {  	s25 =	sshll.u32 @p1 s24, $0x6;
	s26 =	simm.s32 @p1 $0x40;
	s28 =	simm.s32 @p1 $0x400  }
0xf7: {  	[tilespmem:s28], [sflag:$0x1] =	stream.indirect.gather @p1 [hbm4b:s1+s26], $0x80, s25, s26, $0xb8;
	[tilespmem:$0xA600] =	vst v63  }
0xf8: {  	p2 =	sne.s32 @!p1 s23, $0x1;
	s25 =	sadd.s32 @p1 $0x200, s25;
	s28 =	simm.s32 @p1 $0x4400  }
0xf9: {  	[tilespmem:s28], [sflag:$0x3] =	stream.indirect.gather @p1 [hbm4b:s3+s26], $0x80, s25, s26, $0xb8;
	[tilespmem:$0xA600] =	vst v63  }
0xfa: {  	p1 =	por p2, p1  }
0xfb: {  	s23 =	sshll.u32 @!p1 s24, $0x6;
	s24 =	simm.s32 @!p1 $0x40;
	s25 =	simm.s32 @!p1 $0x2400  }
0xfc: {  	[tilespmem:s25], [sflag:$0x2] =	stream.indirect.gather @!p1 [hbm4b:s1+s24], $0x80, s23, s24, $0xb8;
	[tilespmem:$0xA600] =	vst v63  }
0xfd: {  	s22 =	sadd.s32 $0x1, s22;
	s23 =	sadd.s32 @!p1 $0x200, s23;
	s25 =	simm.s32 @!p1 $0x6400  }
0xfe: {  	[tilespmem:s25], [sflag:$0x4] =	stream.indirect.gather @!p1 [hbm4b:s3+s24], $0x80, s23, s24, $0xb8;
	[tilespmem:$0xA600] =	vst v63  }
0xff: {  	p1 =	sne.s32 s22, $0x8  }
.Ltmp2:
0x100: {  	_ = 	snop;
	(pc) =	sbr.rel @p1 .LBB2_2-.Ltmp2, $2  }
0x101: {  	_ =	sdelay $0x2  }
0x102: {  	p0 =	por !p0, !p0  }
0x103: {  	s21 =	sadd.s32 $0x1, s21  }
0x104: {  	p0 =	sne.s32 s21, s8  }
.Ltmp3:
0x105: {  	_ = 	snop;
	(pc) =	sbr.rel @p0 .LBB2_1-.Ltmp3, $4  }
0x106: {  	[hbm4b:s7+s4] =	stream.linear.scatter [tilespmem:s19], [sflag:$0x5], $0x200, $0x38;
	[tilespmem:$0xA600] =	vst v63  }
0x107: {  	_ =	swait.ge [sflag:s20], $0x200  }
0x108: {  	[sflag:s20] =	ssyncset.done $0x0  }
0x109: {  	[sflag:s20] =	ssyncadd.s32 $0xFFFFFE00  }
0x10a: {  	_ =	sfence.sel $0x180000  }
0x10b: {  	[bflag:$0x0] =	sbarrier.arrive $0xFFFF  }
0x10c: {  	p0 =	sne.s32 s2, $0x0;
	_ =	strace $0x90000047  }
0x10d: {  	s0 =	sadd.s32 @!p0 $0x100000, s0;
	[bflag:$0x2] =	sbarrier.arrive $0xFFFF  }
0x10e: {  	[sflag:s0] =	ssyncadd.tile.s32 @!p0 $0x1;
	_ =	shalt  }
.Lfunc_end2:
_tile_overlayer_lowered:
.L_overlay_start_2:
0x10f: {  	(tag) =	ssettag $0x2  }
0x110: {  	s0 =	rddreg [dreg:$0x0];
	s2 =	stileid.u32  }
0x111: {  	s1 =	rddreg [dreg:$0x1];
	p0 =	sne.s32 s2, $0x0  }
0x112: {  	s3 =	rddreg [dreg:$0x2];
	[bflag:$0x3] =	sbarrier.arrive $0xFFFF;
	s2 =	simm.s32 @!p0 $0x1C05  }
0x113: {  	[timem:s3], [sflag:s2] =	dma.local @!p0 [hbm:s0], s1  }
0x114: {  	s0 =	simm.s32 @!p0 $0x5  }
0x115: {  	_ =	swait.ge @!p0 [sflag:s0], s1  }
0x116: {  	s1 =	ssub.s32 @!p0 $0x0, s1;
	[sflag:s0] =	ssyncset.done @!p0 $0x0  }
0x117: {  	[sflag:s0] =	ssyncadd.s32 @!p0 s1  }
0x118: {  	[bflag:$0x3] =	sbarrier.arrive $0xFFFF  }
0x119: {  	_ =	shalt  }

</sc_bundles>
